<compile_context>
chip_gen: v7x
topology: tpu7x:2x2x1
jax: 0.10.2.dev20260603
libtpu: 0.0.44.dev20260713+nightly
codegen_flags: <defaults>
</compile_context>

<pallas_src>
import dataclasses
import functools

import jax
import jax.numpy as jnp
from jax import lax
from jax.experimental import pallas as pl
from jax.experimental.pallas import tpu as pltpu
from jax.experimental.pallas import tpu_sc as plsc

N = 10000
E = 320000
D = 128
NC, NS = 2, 16
NW = NC * NS
EPW = E // NW
K = 80
CH = EPW // K
SEG = 5
CHS = CH // SEG
RPT = 624
TAIL = N - NS * RPT
ZR = 16
LANES = 16

_mesh = plsc.VectorSubcoreMesh(core_axis_name="c", subcore_axis_name="s")
_cp = pltpu.CompilerParams()
if "needs_layout_passes" in pltpu.CompilerParams.__dataclass_fields__:
    _cp = dataclasses.replace(_cp, needs_layout_passes=False)

NB = 80
ECT = E // NS
CHH = ECT // K


@functools.partial(
    pl.kernel,
    out_type=[
        jax.ShapeDtypeStruct((N, D), jnp.float32),
        jax.ShapeDtypeStruct((N, D), jnp.float32),
    ],
    mesh=_mesh,
    compiler_params=_cp,
    scratch_types=[
        pltpu.VMEM((CHH, K), jnp.int32),
        pltpu.VMEM((NB, D), jnp.float32),
        pltpu.VMEM((NB,), jnp.int32),
        pltpu.VMEM((RPT + TAIL, D), jnp.float32),
        pltpu.VMEM_SHARED((NB, D), jnp.float32),
    ],
)
def _degree_hist(src_hbm, dst_hbm, hs_hbm, hd_hbm,
                 eidx, bins_v, idv, exp_v, bins_sh):
    cid = lax.axis_index("c")
    sid = lax.axis_index("s")

    @pl.loop(0, NB)
    def _(j):
        @pl.loop(0, D // LANES)
        def _(q):
            bins_v[j, pl.ds(q * LANES, LANES)] = jnp.zeros((LANES,),
                                                           jnp.float32)

    @pl.loop(0, NB // LANES)
    def _(j):
        idv[pl.ds(j * LANES, LANES)] = lax.iota(jnp.int32, LANES) + j * LANES

    @pl.when(sid == 0)
    def _():
        pltpu.sync_copy(bins_v, bins_sh.at[idv])

    @pl.when(cid == 0)
    def _():
        pltpu.sync_copy(src_hbm.at[sid], eidx)

    @pl.when(cid == 1)
    def _():
        pltpu.sync_copy(dst_hbm.at[sid], eidx)

    plsc.subcore_barrier()

    ones16 = jnp.full((LANES,), 1.0, jnp.float32)

    @pl.loop(0, CHH)
    def _(i):
        @pl.loop(0, K // LANES)
        def _(q):
            v = eidx[i, pl.ds(q * LANES, LANES)]
            r = lax.shift_right_logical(v, 7)
            c = lax.bitwise_and(v, 127)
            plsc.addupdate_scatter(bins_v, [r, c], ones16)

    pltpu.sync_copy(bins_v, bins_sh.at[idv], add=True)
    plsc.subcore_barrier()

    pltpu.sync_copy(bins_sh, bins_v)

    r0 = sid * RPT

    def expand(nrows):
        @pl.loop(0, nrows)
        def _(j):
            node = r0 + j
            r16 = jnp.full((LANES,), lax.shift_right_logical(node, 7),
                           jnp.int32)
            c16 = jnp.full((LANES,), lax.bitwise_and(node, 127), jnp.int32)
            cnt16 = plsc.load_gather(bins_v, [r16, c16])

            @pl.loop(0, D // LANES)
            def _(q):
                exp_v[j, pl.ds(q * LANES, LANES)] = cnt16

    out_hbm_sel = [hs_hbm, hd_hbm]

    @pl.when(sid < NS - 1)
    def _():
        expand(RPT)

    @pl.when(sid == NS - 1)
    def _():
        expand(RPT + TAIL)

    for c in range(NC):
        @pl.when(cid == c)
        def _():
            @pl.when(sid < NS - 1)
            def _():
                pltpu.sync_copy(exp_v.at[pl.ds(0, RPT)],
                                out_hbm_sel[c].at[pl.ds(r0, RPT)])

            @pl.when(sid == NS - 1)
            def _():
                pltpu.sync_copy(exp_v,
                                out_hbm_sel[c].at[pl.ds(r0, RPT + TAIL)])


@functools.partial(
    pl.kernel,
    out_type=jax.ShapeDtypeStruct((NC * N, D), jnp.float32),
    mesh=_mesh,
    scratch_types=[
        pltpu.VMEM((CHS, K), jnp.int32),
        pltpu.VMEM((CHS, K), jnp.int32),
        pltpu.VMEM((K, D), jnp.float32),
        pltpu.VMEM((K, D), jnp.float32),
        pltpu.VMEM((K, D), jnp.float32),
        pltpu.VMEM((ZR, D), jnp.float32),
        pltpu.VMEM_SHARED((N, D), jnp.float32),
        pltpu.SemaphoreType.DMA,
        pltpu.SemaphoreType.DMA,
        pltpu.SemaphoreType.DMA,
        pltpu.SemaphoreType.DMA,
        pltpu.SemaphoreType.DMA,
        pltpu.SemaphoreType.DMA,
    ],
)
def _message_pass(feat_hbm, src_hbm, dst_hbm, acc_hbm,
                  sidx, didx, rows0, rows1, rows2, zero_v, acc_s,
                  g0, g1, g2, s0, s1, s2):
    cid = lax.axis_index("c")
    sid = lax.axis_index("s")
    w = cid * NS + sid

    @pl.loop(0, ZR)
    def _(j):
        @pl.loop(0, D // LANES)
        def _(q):
            zero_v[j, pl.ds(q * LANES, LANES)] = jnp.zeros((LANES,), jnp.float32)

    r0 = sid * RPT

    @pl.loop(0, RPT // ZR)
    def _(t):
        pltpu.async_copy(zero_v, acc_s.at[pl.ds(r0 + t * ZR, ZR)], s2)

    @pl.when(sid == NS - 1)
    def _():
        pltpu.async_copy(zero_v, acc_s.at[pl.ds(NS * RPT, TAIL)], s2)

    pltpu.sync_copy(src_hbm.at[w * SEG], sidx)
    pltpu.sync_copy(dst_hbm.at[w * SEG], didx)
    pltpu.async_copy(feat_hbm.at[sidx.at[0]], rows0, g0)
    pltpu.async_copy(feat_hbm.at[sidx.at[1]], rows1, g1)

    @pl.loop(0, RPT // ZR)
    def _(t):
        pltpu.make_async_copy(zero_v, acc_s.at[pl.ds(r0, ZR)], s2).wait()

    @pl.when(sid == NS - 1)
    def _():
        pltpu.make_async_copy(zero_v, acc_s.at[pl.ds(r0, TAIL)], s2).wait()

    plsc.subcore_barrier()

    rows = (rows0, rows1, rows2)
    gsem = (g0, g1, g2)
    ssem = (s0, s1, s2)

    def wait_gather(b):
        pltpu.make_async_copy(feat_hbm.at[sidx.at[0]], rows[b], gsem[b]).wait()

    def wait_scatter(b):
        pltpu.make_async_copy(rows[b], acc_s.at[didx.at[0]], ssem[b]).wait()

    @pl.loop(0, SEG)
    def _(s):
        @pl.when(s > 0)
        def _():
            pltpu.sync_copy(src_hbm.at[w * SEG + s], sidx)
            pltpu.sync_copy(dst_hbm.at[w * SEG + s], didx)
            pltpu.async_copy(feat_hbm.at[sidx.at[0]], rows0, g0)
            pltpu.async_copy(feat_hbm.at[sidx.at[1]], rows1, g1)

        @pl.loop(0, CHS // 3)
        def _(t):
            for j in range(3):
                c = 3 * t + j
                b, bp, bn = j, (j + 2) % 3, (j + 2) % 3
                wait_gather(b)
                pltpu.async_copy(rows[b], acc_s.at[didx.at[c]], ssem[b],
                                 add=True)
                if j == 0:
                    @pl.when(c > 0)
                    def _():
                        wait_scatter(bp)
                else:
                    wait_scatter((j - 1) % 3)

                @pl.when(c + 2 < CHS)
                def _():
                    pltpu.async_copy(feat_hbm.at[sidx.at[c + 2]], rows[bn],
                                     gsem[bn])

        wait_gather(0)
        pltpu.async_copy(rows0, acc_s.at[didx.at[CHS - 1]], s0, add=True)
        wait_scatter(2)
        wait_scatter(0)

    plsc.subcore_barrier()
    pltpu.sync_copy(acc_s.at[pl.ds(r0, RPT)],
                    acc_hbm.at[pl.ds(cid * N + r0, RPT)])

    @pl.when(sid == NS - 1)
    def _():
        pltpu.sync_copy(acc_s.at[pl.ds(NS * RPT, TAIL)],
                        acc_hbm.at[pl.ds(cid * N + NS * RPT, TAIL)])


_ROWS = 1000


def _feat_body(x_ref, hs_ref, o_ref):
    deg = hs_ref[...]
    scale = lax.rsqrt(jnp.maximum(deg, 1.0))
    o_ref[...] = x_ref[...] * scale


_feat_call = pl.pallas_call(
    _feat_body,
    out_shape=jax.ShapeDtypeStruct((N, D), jnp.float32),
    grid=(N // _ROWS,),
    in_specs=[
        pl.BlockSpec((_ROWS, D), lambda i: (i, 0)),
        pl.BlockSpec((_ROWS, D), lambda i: (i, 0)),
    ],
    out_specs=pl.BlockSpec((_ROWS, D), lambda i: (i, 0)),
)


def _out_body(acc_ref, feat_ref, hd_ref, w1_ref, w2_ref, o_ref):
    cs = acc_ref[0] + acc_ref[1]
    deg = hd_ref[...]
    scale = lax.rsqrt(jnp.maximum(deg, 1.0))
    t = jnp.dot(cs, w1_ref[...], preferred_element_type=jnp.float32)
    t = t + jnp.dot(feat_ref[...] * cs, w2_ref[...],
                    preferred_element_type=jnp.float32)
    o_ref[...] = t * scale


_out_call = pl.pallas_call(
    _out_body,
    out_shape=jax.ShapeDtypeStruct((N, D), jnp.float32),
    grid=(N // _ROWS,),
    in_specs=[
        pl.BlockSpec((NC, _ROWS, D), lambda i: (0, i, 0)),
        pl.BlockSpec((_ROWS, D), lambda i: (i, 0)),
        pl.BlockSpec((_ROWS, D), lambda i: (i, 0)),
        pl.BlockSpec((D, D), lambda i: (0, 0)),
        pl.BlockSpec((D, D), lambda i: (0, 0)),
    ],
    out_specs=pl.BlockSpec((_ROWS, D), lambda i: (i, 0)),
)


def kernel(x, edge_index, W1, W2):
    ei = edge_index.astype(jnp.int32)
    src = ei[0]
    dst = ei[1]
    hs, hd = _degree_hist(src.reshape(NS, CHH, K), dst.reshape(NS, CHH, K))
    feat = _feat_call(x, hs)
    acc = _message_pass(feat, src.reshape(NW * SEG, CHS, K),
                        dst.reshape(NW * SEG, CHS, K)).reshape(NC, N, D)
    return _out_call(acc, feat, hd, W1, W2)

# --- scband reference (transcript-rebuilt; emitter-appended) ---
"""Pipeline reference for scband-ngcf-conv-24215025615236 (READ-ONLY COPY).

The authoritative reference and input builder live on the scoring server;
editing this copy changes nothing except your own understanding.
"""

import jax, jax.numpy as jnp
import numpy as np

N_NODES = 10000
N_EDGES = 320000
D_IN = 128
D_OUT = 128


def setup_inputs(seed: int = 0) -> dict:
    key = jax.random.key(seed)
    k1, k2, k3, k4 = jax.random.split(key, 4)
    x = jax.random.normal(k1, (N_NODES, D_IN), dtype=jnp.float32)
    edge_index = jax.random.randint(k2, (2, N_EDGES), 0, N_NODES, dtype=jnp.int64)
    # Xavier-uniform init for W1, W2 as in the torch module
    limit = float(np.sqrt(6.0 / (D_IN + D_OUT)))
    W1 = jax.random.uniform(k3, (D_IN, D_OUT), minval=-limit, maxval=limit, dtype=jnp.float32)
    W2 = jax.random.uniform(k4, (D_IN, D_OUT), minval=-limit, maxval=limit, dtype=jnp.float32)
    return {"x": x, "edge_index": edge_index, "W1": W1, "W2": W2}


def reference(x, edge_index, W1, W2):
    src = edge_index[0]
    dst = edge_index[1]
    N = x.shape[0]
    # norm == 'both': scale src features by out_degree^-0.5
    out_deg = jnp.clip(jnp.bincount(src, length=N).astype(jnp.float32), 1.0, None)
    feat = x * (out_deg ** -0.5)[:, None]
    # message passing 1: copy src -> sum at dst
    copy_sum = jax.ops.segment_sum(feat[src], dst, num_segments=N)
    # message passing 2: elementwise product of dst and src features -> sum at dst
    inner_multi_sum = jax.ops.segment_sum(feat[dst] * feat[src], dst, num_segments=N)
    rst = jnp.matmul(copy_sum, W1) + jnp.matmul(inner_multi_sum, W2)
    # norm == 'both': scale output by in_degree^-0.5
    in_deg = jnp.clip(jnp.bincount(dst, length=N).astype(jnp.float32), 1.0, None)
    rst = rst * (in_deg ** -0.5)[:, None]
    return rst

if __name__ == "__main__":
    import jax
    _d = setup_inputs()
    print(jax.jit(kernel)(*tuple(_d.values())))

</pallas_src>

<mosaic_0001>
#map = affine_map<(d0, d1) -> (0, 0, 0)>
#map1 = affine_map<(d0, d1) -> (0, 0)>
module attributes {stable_mosaic.version = 14 : i64} {
  func.func @_degree_hist(%arg0: i32, %arg1: i32, %arg2: memref<16x250x80xi32, #tpu.memory_space<hbm>>, %arg3: memref<16x250x80xi32, #tpu.memory_space<hbm>>, %arg4: memref<10000x128xf32, #tpu.memory_space<hbm>>, %arg5: memref<10000x128xf32, #tpu.memory_space<hbm>>, %arg6: memref<250x80xi32, #tpu.memory_space<vmem>>, %arg7: memref<80x128xf32, #tpu.memory_space<vmem>>, %arg8: memref<80xi32, #tpu.memory_space<vmem>>, %arg9: memref<640x128xf32, #tpu.memory_space<vmem>>, %arg10: memref<80x128xf32, #tpu.memory_space<vmem_shared>>) attributes {dimension_semantics = [#tpu.dimension_semantics<core_parallel>, #tpu.dimension_semantics<subcore_parallel>], iteration_bounds = array<i64: 2, 16>, scalar_prefetch = 0 : i64, scratch_operands = 5 : i64, tpu.core_type = #tpu.core_type<sc_vector_subcore>, window_params = [{transform_indices = #map}, {transform_indices = #map}, {transform_indices = #map1}, {transform_indices = #map1}]} {
    %scan3A = arith.constant 0 : i32
    %scan3A_0 = arith.constant 80 : i32
    %scan3A_1 = arith.addi %scan3A, %scan3A_0 : i32
    %scan3A_2 = arith.constant 1 : i32
    scf.for %scan3A_48 = %scan3A to %scan3A_1 step %scan3A_2  : i32 {
      %mul3A_49 = arith.constant 1 : i32
      %mul3A_50 = arith.muli %scan3A_48, %mul3A_49 : i32
      %add3A = arith.constant 0 : i32
      %add3A_51 = arith.addi %add3A, %mul3A_50 : i32
      %scan3A_52 = arith.constant 0 : i32
      %scan3A_53 = arith.constant 8 : i32
      %scan3A_54 = arith.addi %scan3A_52, %scan3A_53 : i32
      %scan3A_55 = arith.constant 1 : i32
      scf.for %scan3A_57 = %scan3A_52 to %scan3A_54 step %scan3A_55  : i32 {
        %mul3A_58 = arith.constant 1 : i32
        %mul3A_59 = arith.muli %scan3A_57, %mul3A_58 : i32
        %add3A_60 = arith.constant 0 : i32
        %add3A_61 = arith.addi %add3A_60, %mul3A_59 : i32
        %broadcast_in_dim3A_62 = arith.constant 0.000000e+00 : f32
        %broadcast_in_dim3A_63 = vector.broadcast %broadcast_in_dim3A_62 : f32 to vector<16xf32>
        %mul3A_64 = arith.constant 16 : i32
        %mul3A_65 = arith.muli %add3A_61, %mul3A_64 : i32
        %swap3A = arith.index_cast %add3A_51 : i32 to index
        %swap3A_66 = arith.index_cast %mul3A_65 : i32 to index
        %swap3A_67 = tpu.vector_load %arg7[%swap3A, %swap3A_66] {strides = array<i32>} : memref<80x128xf32, #tpu.memory_space<vmem>>, vector<16xf32>,
        tpu.vector_store %arg7[%swap3A, %swap3A_66], %broadcast_in_dim3A_63 {strides = array<i32>} : memref<80x128xf32, #tpu.memory_space<vmem>>, vector<16xf32>,
      }
      %scan3A_56 = arith.constant 8 : i32
    }
    %scan3A_3 = arith.constant 80 : i32
    %scan3A_4 = arith.constant 0 : i32
    %scan3A_5 = arith.constant 5 : i32
    %scan3A_6 = arith.addi %scan3A_4, %scan3A_5 : i32
    %scan3A_7 = arith.constant 1 : i32
    scf.for %scan3A_48 = %scan3A_4 to %scan3A_6 step %scan3A_7  : i32 {
      %mul3A_49 = arith.constant 1 : i32
      %mul3A_50 = arith.muli %scan3A_48, %mul3A_49 : i32
      %add3A = arith.constant 0 : i32
      %add3A_51 = arith.addi %add3A, %mul3A_50 : i32
      %iota3A = tpu.iota {dimensions = array<i32: 0>} : vector<16xi32>
      %mul3A_52 = arith.constant 16 : i32
      %mul3A_53 = arith.muli %add3A_51, %mul3A_52 : i32
      %add3A_54 = vector.broadcast %mul3A_53 : i32 to vector<16xi32>
      %add3A_55 = arith.addi %iota3A, %add3A_54 : vector<16xi32>
      %mul3A_56 = arith.constant 16 : i32
      %mul3A_57 = arith.muli %add3A_51, %mul3A_56 : i32
      %swap3A = arith.index_cast %mul3A_57 : i32 to index
      %swap3A_58 = tpu.vector_load %arg8[%swap3A] {strides = array<i32>} : memref<80xi32, #tpu.memory_space<vmem>>, vector<16xi32>,
      tpu.vector_store %arg8[%swap3A], %add3A_55 {strides = array<i32>} : memref<80xi32, #tpu.memory_space<vmem>>, vector<16xi32>,
    }
    %scan3A_8 = arith.constant 5 : i32
    %eq3A = arith.constant 0 : i32
    %eq3A_9 = arith.cmpi eq, %arg1, %eq3A : i32
    %convert_element_type3A = arith.extui %eq3A_9 : i1 to i32
    %cond3A = arith.constant 0 : i32
    %cond3A_10 = arith.cmpi ne, %convert_element_type3A, %cond3A : i32
    scf.if %cond3A_10 {
      "tpu.region"() ({
        %run_scoped3A = tpu.sem_alloc : memref<!tpu.dma_semaphore, #tpu.memory_space<semaphore_mem>>
        %dma_start3A = arith.constant 0 : i32
        %dma_start3A_48 = arith.constant 0 : i32
        %dma_start3A_49 = tpu.memref_slice %arg10[%dma_start3A, %dma_start3A_48] : memref<80x128xf32, #tpu.memory_space<vmem_shared>> -> memref<80x128xf32, #tpu.memory_space<vmem_shared>>
        tpu.enqueue_indirect_dma source(%arg7 : memref<80x128xf32, #tpu.memory_space<vmem>>) target(%dma_start3A_49 : memref<80x128xf32, #tpu.memory_space<vmem_shared>>) offsets(%arg8 : memref<80xi32, #tpu.memory_space<vmem>>) semaphore(%run_scoped3A : memref<!tpu.dma_semaphore, #tpu.memory_space<semaphore_mem>>)
        %dma_wait3A = arith.constant 0 : i32
        %dma_wait3A_50 = arith.constant 0 : i32
        %dma_wait3A_51 = tpu.memref_slice %arg10[%dma_wait3A, %dma_wait3A_50] : memref<80x128xf32, #tpu.memory_space<vmem_shared>> -> memref<80x128xf32, #tpu.memory_space<vmem_shared>>
        tpu.wait_indirect_dma semaphore(%run_scoped3A : memref<!tpu.dma_semaphore, #tpu.memory_space<semaphore_mem>>) src(%arg7 : memref<80x128xf32, #tpu.memory_space<vmem>>) dst(%dma_wait3A_51 : memref<80x128xf32, #tpu.memory_space<vmem_shared>>)
        tpu.yield
      }) : () -> ()
    } else {
    }
    %eq3A_11 = arith.constant 0 : i32
    %eq3A_12 = arith.cmpi eq, %arg0, %eq3A_11 : i32
    %convert_element_type3A_13 = arith.extui %eq3A_12 : i1 to i32
    %cond3A_14 = arith.constant 0 : i32
    %cond3A_15 = arith.cmpi ne, %convert_element_type3A_13, %cond3A_14 : i32
    scf.if %cond3A_15 {
      "tpu.region"() ({
        %run_scoped3A = tpu.sem_alloc : memref<!tpu.dma_semaphore, #tpu.memory_space<semaphore_mem>>
        %dma_start3A = arith.constant 0 : i32
        %dma_start3A_48 = arith.constant 0 : i32
        %dma_start3A_49 = tpu.memref_slice %arg2[%arg1, %dma_start3A, %dma_start3A_48] : memref<16x250x80xi32, #tpu.memory_space<hbm>> -> memref<1x250x80xi32, #tpu.memory_space<hbm>>
        %dma_start3A_50 = tpu.memref_squeeze %dma_start3A_49 : memref<1x250x80xi32, #tpu.memory_space<hbm>> -> memref<250x80xi32, #tpu.memory_space<hbm>>
        %dma_start3A_51 = arith.constant 0 : i32
        %dma_start3A_52 = arith.constant 0 : i32
        %dma_start3A_53 = tpu.memref_slice %arg2[%arg1, %dma_start3A_51, %dma_start3A_52] : memref<16x250x80xi32, #tpu.memory_space<hbm>> -> memref<1x250x80xi32, #tpu.memory_space<hbm>>
        %dma_start3A_54 = tpu.memref_squeeze %dma_start3A_53 : memref<1x250x80xi32, #tpu.memory_space<hbm>> -> memref<250x80xi32, #tpu.memory_space<hbm>>
        tpu.enqueue_dma source(%dma_start3A_54 : memref<250x80xi32, #tpu.memory_space<hbm>>) target(%arg6 : memref<250x80xi32, #tpu.memory_space<vmem>>) target_semaphore(%run_scoped3A : memref<!tpu.dma_semaphore, #tpu.memory_space<semaphore_mem>>)
        %dma_wait3A = arith.constant 0 : i32
        %dma_wait3A_55 = arith.constant 0 : i32
        %dma_wait3A_56 = tpu.memref_slice %arg2[%arg1, %dma_wait3A, %dma_wait3A_55] : memref<16x250x80xi32, #tpu.memory_space<hbm>> -> memref<1x250x80xi32, #tpu.memory_space<hbm>>
        %dma_wait3A_57 = tpu.memref_squeeze %dma_wait3A_56 : memref<1x250x80xi32, #tpu.memory_space<hbm>> -> memref<250x80xi32, #tpu.memory_space<hbm>>
        %dma_wait3A_58 = arith.constant 0 : i32
        %dma_wait3A_59 = arith.constant 0 : i32
        %dma_wait3A_60 = tpu.memref_slice %arg2[%arg1, %dma_wait3A_58, %dma_wait3A_59] : memref<16x250x80xi32, #tpu.memory_space<hbm>> -> memref<1x250x80xi32, #tpu.memory_space<hbm>>
        %dma_wait3A_61 = tpu.memref_squeeze %dma_wait3A_60 : memref<1x250x80xi32, #tpu.memory_space<hbm>> -> memref<250x80xi32, #tpu.memory_space<hbm>>
        tpu.wait_dma2 semaphore(%run_scoped3A : memref<!tpu.dma_semaphore, #tpu.memory_space<semaphore_mem>>) src(%dma_wait3A_61 : memref<250x80xi32, #tpu.memory_space<hbm>>) dst(%arg6 : memref<250x80xi32, #tpu.memory_space<vmem>>)
        tpu.yield
      }) : () -> ()
    } else {
    }
    %eq3A_16 = arith.constant 1 : i32
    %eq3A_17 = arith.cmpi eq, %arg0, %eq3A_16 : i32
    %convert_element_type3A_18 = arith.extui %eq3A_17 : i1 to i32
    %cond3A_19 = arith.constant 0 : i32
    %cond3A_20 = arith.cmpi ne, %convert_element_type3A_18, %cond3A_19 : i32
    scf.if %cond3A_20 {
      "tpu.region"() ({
        %run_scoped3A = tpu.sem_alloc : memref<!tpu.dma_semaphore, #tpu.memory_space<semaphore_mem>>
        %dma_start3A = arith.constant 0 : i32
        %dma_start3A_48 = arith.constant 0 : i32
        %dma_start3A_49 = tpu.memref_slice %arg3[%arg1, %dma_start3A, %dma_start3A_48] : memref<16x250x80xi32, #tpu.memory_space<hbm>> -> memref<1x250x80xi32, #tpu.memory_space<hbm>>
        %dma_start3A_50 = tpu.memref_squeeze %dma_start3A_49 : memref<1x250x80xi32, #tpu.memory_space<hbm>> -> memref<250x80xi32, #tpu.memory_space<hbm>>
        %dma_start3A_51 = arith.constant 0 : i32
        %dma_start3A_52 = arith.constant 0 : i32
        %dma_start3A_53 = tpu.memref_slice %arg3[%arg1, %dma_start3A_51, %dma_start3A_52] : memref<16x250x80xi32, #tpu.memory_space<hbm>> -> memref<1x250x80xi32, #tpu.memory_space<hbm>>
        %dma_start3A_54 = tpu.memref_squeeze %dma_start3A_53 : memref<1x250x80xi32, #tpu.memory_space<hbm>> -> memref<250x80xi32, #tpu.memory_space<hbm>>
        tpu.enqueue_dma source(%dma_start3A_54 : memref<250x80xi32, #tpu.memory_space<hbm>>) target(%arg6 : memref<250x80xi32, #tpu.memory_space<vmem>>) target_semaphore(%run_scoped3A : memref<!tpu.dma_semaphore, #tpu.memory_space<semaphore_mem>>)
        %dma_wait3A = arith.constant 0 : i32
        %dma_wait3A_55 = arith.constant 0 : i32
        %dma_wait3A_56 = tpu.memref_slice %arg3[%arg1, %dma_wait3A, %dma_wait3A_55] : memref<16x250x80xi32, #tpu.memory_space<hbm>> -> memref<1x250x80xi32, #tpu.memory_space<hbm>>
        %dma_wait3A_57 = tpu.memref_squeeze %dma_wait3A_56 : memref<1x250x80xi32, #tpu.memory_space<hbm>> -> memref<250x80xi32, #tpu.memory_space<hbm>>
        %dma_wait3A_58 = arith.constant 0 : i32
        %dma_wait3A_59 = arith.constant 0 : i32
        %dma_wait3A_60 = tpu.memref_slice %arg3[%arg1, %dma_wait3A_58, %dma_wait3A_59] : memref<16x250x80xi32, #tpu.memory_space<hbm>> -> memref<1x250x80xi32, #tpu.memory_space<hbm>>
        %dma_wait3A_61 = tpu.memref_squeeze %dma_wait3A_60 : memref<1x250x80xi32, #tpu.memory_space<hbm>> -> memref<250x80xi32, #tpu.memory_space<hbm>>
        tpu.wait_dma2 semaphore(%run_scoped3A : memref<!tpu.dma_semaphore, #tpu.memory_space<semaphore_mem>>) src(%dma_wait3A_61 : memref<250x80xi32, #tpu.memory_space<hbm>>) dst(%arg6 : memref<250x80xi32, #tpu.memory_space<vmem>>)
        tpu.yield
      }) : () -> ()
    } else {
    }
    %barrier3A = arith.constant 0 : index
    tpu.barrier barrier_id(%barrier3A)
    %broadcast_in_dim3A = arith.constant 1.000000e+00 : f32
    %broadcast_in_dim3A_21 = vector.broadcast %broadcast_in_dim3A : f32 to vector<16xf32>
    %scan3A_22 = arith.constant 0 : i32
    %scan3A_23 = arith.constant 250 : i32
    %scan3A_24 = arith.addi %scan3A_22, %scan3A_23 : i32
    %scan3A_25 = arith.constant 1 : i32
    scf.for %scan3A_48 = %scan3A_22 to %scan3A_24 step %scan3A_25  : i32 {
      %mul3A_49 = arith.constant 1 : i32
      %mul3A_50 = arith.muli %scan3A_48, %mul3A_49 : i32
      %add3A = arith.constant 0 : i32
      %add3A_51 = arith.addi %add3A, %mul3A_50 : i32
      %scan3A_52 = arith.constant 0 : i32
      %scan3A_53 = arith.constant 5 : i32
      %scan3A_54 = arith.addi %scan3A_52, %scan3A_53 : i32
      %scan3A_55 = arith.constant 1 : i32
      scf.for %scan3A_57 = %scan3A_52 to %scan3A_54 step %scan3A_55  : i32 {
        %mul3A_58 = arith.constant 1 : i32
        %mul3A_59 = arith.muli %scan3A_57, %mul3A_58 : i32
        %add3A_60 = arith.constant 0 : i32
        %add3A_61 = arith.addi %add3A_60, %mul3A_59 : i32
        %mul3A_62 = arith.constant 16 : i32
        %mul3A_63 = arith.muli %add3A_61, %mul3A_62 : i32
        %get3A = arith.index_cast %add3A_51 : i32 to index
        %get3A_64 = arith.index_cast %mul3A_63 : i32 to index
        %get3A_65 = tpu.vector_load %arg6[%get3A, %get3A_64] {strides = array<i32>} : memref<250x80xi32, #tpu.memory_space<vmem>>, vector<16xi32>,
        %shift_right_logical3A = arith.constant 7 : i32
        %shift_right_logical3A_66 = vector.broadcast %shift_right_logical3A : i32 to vector<16xi32>
        %shift_right_logical3A_67 = arith.shrui %get3A_65, %shift_right_logical3A_66 : vector<16xi32>
        %and3A = arith.constant 127 : i32
        %and3A_68 = vector.broadcast %and3A : i32 to vector<16xi32>
        %and3A_69 = arith.andi %get3A_65, %and3A_68 : vector<16xi32>
        tpu.vector_store_idx %arg7[%shift_right_logical3A_67, %and3A_69], %broadcast_in_dim3A_21 {add = true} : memref<80x128xf32, #tpu.memory_space<vmem>>[vector<16xi32>, vector<16xi32>], vector<16xf32>,
      }
      %scan3A_56 = arith.constant 5 : i32
    }
    %scan3A_26 = arith.constant 250 : i32
    "tpu.region"() ({
      %run_scoped3A = tpu.sem_alloc : memref<!tpu.dma_semaphore, #tpu.memory_space<semaphore_mem>>
      %dma_start3A = arith.constant 0 : i32
      %dma_start3A_48 = arith.constant 0 : i32
      %dma_start3A_49 = tpu.memref_slice %arg10[%dma_start3A, %dma_start3A_48] : memref<80x128xf32, #tpu.memory_space<vmem_shared>> -> memref<80x128xf32, #tpu.memory_space<vmem_shared>>
      tpu.enqueue_indirect_dma source(%arg7 : memref<80x128xf32, #tpu.memory_space<vmem>>) target(%dma_start3A_49 : memref<80x128xf32, #tpu.memory_space<vmem_shared>>) offsets(%arg8 : memref<80xi32, #tpu.memory_space<vmem>>) semaphore(%run_scoped3A : memref<!tpu.dma_semaphore, #tpu.memory_space<semaphore_mem>>) {add = true}
      %dma_wait3A = arith.constant 0 : i32
      %dma_wait3A_50 = arith.constant 0 : i32
      %dma_wait3A_51 = tpu.memref_slice %arg10[%dma_wait3A, %dma_wait3A_50] : memref<80x128xf32, #tpu.memory_space<vmem_shared>> -> memref<80x128xf32, #tpu.memory_space<vmem_shared>>
      tpu.wait_indirect_dma semaphore(%run_scoped3A : memref<!tpu.dma_semaphore, #tpu.memory_space<semaphore_mem>>) src(%arg7 : memref<80x128xf32, #tpu.memory_space<vmem>>) dst(%dma_wait3A_51 : memref<80x128xf32, #tpu.memory_space<vmem_shared>>)
      tpu.yield
    }) : () -> ()
    %barrier3A_27 = arith.constant 0 : index
    tpu.barrier barrier_id(%barrier3A_27)
    "tpu.region"() ({
      %run_scoped3A = tpu.sem_alloc : memref<!tpu.dma_semaphore, #tpu.memory_space<semaphore_mem>>
      tpu.enqueue_dma source(%arg10 : memref<80x128xf32, #tpu.memory_space<vmem_shared>>) target(%arg7 : memref<80x128xf32, #tpu.memory_space<vmem>>) target_semaphore(%run_scoped3A : memref<!tpu.dma_semaphore, #tpu.memory_space<semaphore_mem>>)
      tpu.wait_dma2 semaphore(%run_scoped3A : memref<!tpu.dma_semaphore, #tpu.memory_space<semaphore_mem>>) src(%arg10 : memref<80x128xf32, #tpu.memory_space<vmem_shared>>) dst(%arg7 : memref<80x128xf32, #tpu.memory_space<vmem>>)
      tpu.yield
    }) : () -> ()
    %mul3A = arith.constant 624 : i32
    %mul3A_28 = arith.muli %arg1, %mul3A : i32
    %lt3A = arith.constant 15 : i32
    %lt3A_29 = arith.cmpi slt, %arg1, %lt3A : i32
    %convert_element_type3A_30 = arith.extui %lt3A_29 : i1 to i32
    %cond3A_31 = arith.constant 0 : i32
    %cond3A_32 = arith.cmpi ne, %convert_element_type3A_30, %cond3A_31 : i32
    scf.if %cond3A_32 {
      %scan3A_48 = arith.constant 0 : i32
      %scan3A_49 = arith.constant 624 : i32
      %scan3A_50 = arith.addi %scan3A_48, %scan3A_49 : i32
      %scan3A_51 = arith.constant 1 : i32
      scf.for %scan3A_53 = %scan3A_48 to %scan3A_50 step %scan3A_51  : i32 {
        %mul3A_54 = arith.constant 1 : i32
        %mul3A_55 = arith.muli %scan3A_53, %mul3A_54 : i32
        %add3A = arith.constant 0 : i32
        %add3A_56 = arith.addi %add3A, %mul3A_55 : i32
        %add3A_57 = arith.addi %mul3A_28, %add3A_56 : i32
        %shift_right_logical3A = arith.constant 7 : i32
        %shift_right_logical3A_58 = arith.shrui %add3A_57, %shift_right_logical3A : i32
        %broadcast_in_dim3A_59 = vector.broadcast %shift_right_logical3A_58 : i32 to vector<16xi32>
        %and3A = arith.constant 127 : i32
        %and3A_60 = arith.andi %add3A_57, %and3A : i32
        %broadcast_in_dim3A_61 = vector.broadcast %and3A_60 : i32 to vector<16xi32>
        %gather3A = tpu.vector_load_idx %arg7[%broadcast_in_dim3A_59, %broadcast_in_dim3A_61] : memref<80x128xf32, #tpu.memory_space<vmem>>[vector<16xi32>, vector<16xi32>], vector<16xf32>,
        %scan3A_62 = arith.constant 0 : i32
        %scan3A_63 = arith.constant 8 : i32
        %scan3A_64 = arith.addi %scan3A_62, %scan3A_63 : i32
        %scan3A_65 = arith.constant 1 : i32
        scf.for %scan3A_67 = %scan3A_62 to %scan3A_64 step %scan3A_65  : i32 {
          %mul3A_68 = arith.constant 1 : i32
          %mul3A_69 = arith.muli %scan3A_67, %mul3A_68 : i32
          %add3A_70 = arith.constant 0 : i32
          %add3A_71 = arith.addi %add3A_70, %mul3A_69 : i32
          %mul3A_72 = arith.constant 16 : i32
          %mul3A_73 = arith.muli %add3A_71, %mul3A_72 : i32
          %swap3A = arith.index_cast %add3A_56 : i32 to index
          %swap3A_74 = arith.index_cast %mul3A_73 : i32 to index
          %swap3A_75 = tpu.vector_load %arg9[%swap3A, %swap3A_74] {strides = array<i32>} : memref<640x128xf32, #tpu.memory_space<vmem>>, vector<16xf32>,
          tpu.vector_store %arg9[%swap3A, %swap3A_74], %gather3A {strides = array<i32>} : memref<640x128xf32, #tpu.memory_space<vmem>>, vector<16xf32>,
        }
        %scan3A_66 = arith.constant 8 : i32
      }
      %scan3A_52 = arith.constant 624 : i32
    } else {
    }
    %eq3A_33 = arith.constant 15 : i32
    %eq3A_34 = arith.cmpi eq, %arg1, %eq3A_33 : i32
    %convert_element_type3A_35 = arith.extui %eq3A_34 : i1 to i32
    %cond3A_36 = arith.constant 0 : i32
    %cond3A_37 = arith.cmpi ne, %convert_element_type3A_35, %cond3A_36 : i32
    scf.if %cond3A_37 {
      %scan3A_48 = arith.constant 0 : i32
      %scan3A_49 = arith.constant 640 : i32
      %scan3A_50 = arith.addi %scan3A_48, %scan3A_49 : i32
      %scan3A_51 = arith.constant 1 : i32
      scf.for %scan3A_53 = %scan3A_48 to %scan3A_50 step %scan3A_51  : i32 {
        %mul3A_54 = arith.constant 1 : i32
        %mul3A_55 = arith.muli %scan3A_53, %mul3A_54 : i32
        %add3A = arith.constant 0 : i32
        %add3A_56 = arith.addi %add3A, %mul3A_55 : i32
        %add3A_57 = arith.addi %mul3A_28, %add3A_56 : i32
        %shift_right_logical3A = arith.constant 7 : i32
        %shift_right_logical3A_58 = arith.shrui %add3A_57, %shift_right_logical3A : i32
        %broadcast_in_dim3A_59 = vector.broadcast %shift_right_logical3A_58 : i32 to vector<16xi32>
        %and3A = arith.constant 127 : i32
        %and3A_60 = arith.andi %add3A_57, %and3A : i32
        %broadcast_in_dim3A_61 = vector.broadcast %and3A_60 : i32 to vector<16xi32>
        %gather3A = tpu.vector_load_idx %arg7[%broadcast_in_dim3A_59, %broadcast_in_dim3A_61] : memref<80x128xf32, #tpu.memory_space<vmem>>[vector<16xi32>, vector<16xi32>], vector<16xf32>,
        %scan3A_62 = arith.constant 0 : i32
        %scan3A_63 = arith.constant 8 : i32
        %scan3A_64 = arith.addi %scan3A_62, %scan3A_63 : i32
        %scan3A_65 = arith.constant 1 : i32
        scf.for %scan3A_67 = %scan3A_62 to %scan3A_64 step %scan3A_65  : i32 {
          %mul3A_68 = arith.constant 1 : i32
          %mul3A_69 = arith.muli %scan3A_67, %mul3A_68 : i32
          %add3A_70 = arith.constant 0 : i32
          %add3A_71 = arith.addi %add3A_70, %mul3A_69 : i32
          %mul3A_72 = arith.constant 16 : i32
          %mul3A_73 = arith.muli %add3A_71, %mul3A_72 : i32
          %swap3A = arith.index_cast %add3A_56 : i32 to index
          %swap3A_74 = arith.index_cast %mul3A_73 : i32 to index
          %swap3A_75 = tpu.vector_load %arg9[%swap3A, %swap3A_74] {strides = array<i32>} : memref<640x128xf32, #tpu.memory_space<vmem>>, vector<16xf32>,
          tpu.vector_store %arg9[%swap3A, %swap3A_74], %gather3A {strides = array<i32>} : memref<640x128xf32, #tpu.memory_space<vmem>>, vector<16xf32>,
        }
        %scan3A_66 = arith.constant 8 : i32
      }
      %scan3A_52 = arith.constant 640 : i32
    } else {
    }
    %eq3A_38 = arith.constant 0 : i32
    %eq3A_39 = arith.cmpi eq, %arg0, %eq3A_38 : i32
    %convert_element_type3A_40 = arith.extui %eq3A_39 : i1 to i32
    %cond3A_41 = arith.constant 0 : i32
    %cond3A_42 = arith.cmpi ne, %convert_element_type3A_40, %cond3A_41 : i32
    scf.if %cond3A_42 {
      %lt3A_48 = arith.constant 15 : i32
      %lt3A_49 = arith.cmpi slt, %arg1, %lt3A_48 : i32
      %convert_element_type3A_50 = arith.extui %lt3A_49 : i1 to i32
      %cond3A_51 = arith.constant 0 : i32
      %cond3A_52 = arith.cmpi ne, %convert_element_type3A_50, %cond3A_51 : i32
      scf.if %cond3A_52 {
        "tpu.region"() ({
          %run_scoped3A = tpu.sem_alloc : memref<!tpu.dma_semaphore, #tpu.memory_space<semaphore_mem>>
          %dma_start3A = arith.constant 0 : i32
          %dma_start3A_58 = arith.constant 0 : i32
          %dma_start3A_59 = tpu.memref_slice %arg9[%dma_start3A, %dma_start3A_58] : memref<640x128xf32, #tpu.memory_space<vmem>> -> memref<624x128xf32, #tpu.memory_space<vmem>>
          %dma_start3A_60 = arith.constant 0 : i32
          %dma_start3A_61 = tpu.memref_slice %arg4[%mul3A_28, %dma_start3A_60] : memref<10000x128xf32, #tpu.memory_space<hbm>> -> memref<624x128xf32, #tpu.memory_space<hbm>>
          %dma_start3A_62 = arith.constant 0 : i32
          %dma_start3A_63 = tpu.memref_slice %arg4[%mul3A_28, %dma_start3A_62] : memref<10000x128xf32, #tpu.memory_space<hbm>> -> memref<624x128xf32, #tpu.memory_space<hbm>>
          %dma_start3A_64 = arith.constant 0 : i32
          %dma_start3A_65 = arith.constant 0 : i32
          %dma_start3A_66 = tpu.memref_slice %arg9[%dma_start3A_64, %dma_start3A_65] : memref<640x128xf32, #tpu.memory_space<vmem>> -> memref<624x128xf32, #tpu.memory_space<vmem>>
          tpu.enqueue_dma source(%dma_start3A_66 : memref<624x128xf32, #tpu.memory_space<vmem>>) target(%dma_start3A_63 : memref<624x128xf32, #tpu.memory_space<hbm>>) target_semaphore(%run_scoped3A : memref<!tpu.dma_semaphore, #tpu.memory_space<semaphore_mem>>)
          %dma_wait3A = arith.constant 0 : i32
          %dma_wait3A_67 = arith.constant 0 : i32
          %dma_wait3A_68 = tpu.memref_slice %arg9[%dma_wait3A, %dma_wait3A_67] : memref<640x128xf32, #tpu.memory_space<vmem>> -> memref<624x128xf32, #tpu.memory_space<vmem>>
          %dma_wait3A_69 = arith.constant 0 : i32
          %dma_wait3A_70 = tpu.memref_slice %arg4[%mul3A_28, %dma_wait3A_69] : memref<10000x128xf32, #tpu.memory_space<hbm>> -> memref<624x128xf32, #tpu.memory_space<hbm>>
          %dma_wait3A_71 = arith.constant 0 : i32
          %dma_wait3A_72 = tpu.memref_slice %arg4[%mul3A_28, %dma_wait3A_71] : memref<10000x128xf32, #tpu.memory_space<hbm>> -> memref<624x128xf32, #tpu.memory_space<hbm>>
          %dma_wait3A_73 = arith.constant 0 : i32
          %dma_wait3A_74 = arith.constant 0 : i32
          %dma_wait3A_75 = tpu.memref_slice %arg9[%dma_wait3A_73, %dma_wait3A_74] : memref<640x128xf32, #tpu.memory_space<vmem>> -> memref<624x128xf32, #tpu.memory_space<vmem>>
          tpu.wait_dma2 semaphore(%run_scoped3A : memref<!tpu.dma_semaphore, #tpu.memory_space<semaphore_mem>>) src(%dma_wait3A_75 : memref<624x128xf32, #tpu.memory_space<vmem>>) dst(%dma_wait3A_72 : memref<624x128xf32, #tpu.memory_space<hbm>>)
          tpu.yield
        }) : () -> ()
      } else {
      }
      %eq3A_53 = arith.constant 15 : i32
      %eq3A_54 = arith.cmpi eq, %arg1, %eq3A_53 : i32
      %convert_element_type3A_55 = arith.extui %eq3A_54 : i1 to i32
      %cond3A_56 = arith.constant 0 : i32
      %cond3A_57 = arith.cmpi ne, %convert_element_type3A_55, %cond3A_56 : i32
      scf.if %cond3A_57 {
        "tpu.region"() ({
          %run_scoped3A = tpu.sem_alloc : memref<!tpu.dma_semaphore, #tpu.memory_space<semaphore_mem>>
          %dma_start3A = arith.constant 0 : i32
          %dma_start3A_58 = tpu.memref_slice %arg4[%mul3A_28, %dma_start3A] : memref<10000x128xf32, #tpu.memory_space<hbm>> -> memref<640x128xf32, #tpu.memory_space<hbm>>
          %dma_start3A_59 = arith.constant 0 : i32
          %dma_start3A_60 = tpu.memref_slice %arg4[%mul3A_28, %dma_start3A_59] : memref<10000x128xf32, #tpu.memory_space<hbm>> -> memref<640x128xf32, #tpu.memory_space<hbm>>
          tpu.enqueue_dma source(%arg9 : memref<640x128xf32, #tpu.memory_space<vmem>>) target(%dma_start3A_60 : memref<640x128xf32, #tpu.memory_space<hbm>>) target_semaphore(%run_scoped3A : memref<!tpu.dma_semaphore, #tpu.memory_space<semaphore_mem>>)
          %dma_wait3A = arith.constant 0 : i32
          %dma_wait3A_61 = tpu.memref_slice %arg4[%mul3A_28, %dma_wait3A] : memref<10000x128xf32, #tpu.memory_space<hbm>> -> memref<640x128xf32, #tpu.memory_space<hbm>>
          %dma_wait3A_62 = arith.constant 0 : i32
          %dma_wait3A_63 = tpu.memref_slice %arg4[%mul3A_28, %dma_wait3A_62] : memref<10000x128xf32, #tpu.memory_space<hbm>> -> memref<640x128xf32, #tpu.memory_space<hbm>>
          tpu.wait_dma2 semaphore(%run_scoped3A : memref<!tpu.dma_semaphore, #tpu.memory_space<semaphore_mem>>) src(%arg9 : memref<640x128xf32, #tpu.memory_space<vmem>>) dst(%dma_wait3A_63 : memref<640x128xf32, #tpu.memory_space<hbm>>)
          tpu.yield
        }) : () -> ()
      } else {
      }
    } else {
    }
    %eq3A_43 = arith.constant 1 : i32
    %eq3A_44 = arith.cmpi eq, %arg0, %eq3A_43 : i32
    %convert_element_type3A_45 = arith.extui %eq3A_44 : i1 to i32
    %cond3A_46 = arith.constant 0 : i32
    %cond3A_47 = arith.cmpi ne, %convert_element_type3A_45, %cond3A_46 : i32
    scf.if %cond3A_47 {
      %lt3A_48 = arith.constant 15 : i32
      %lt3A_49 = arith.cmpi slt, %arg1, %lt3A_48 : i32
      %convert_element_type3A_50 = arith.extui %lt3A_49 : i1 to i32
      %cond3A_51 = arith.constant 0 : i32
      %cond3A_52 = arith.cmpi ne, %convert_element_type3A_50, %cond3A_51 : i32
      scf.if %cond3A_52 {
        "tpu.region"() ({
          %run_scoped3A = tpu.sem_alloc : memref<!tpu.dma_semaphore, #tpu.memory_space<semaphore_mem>>
          %dma_start3A = arith.constant 0 : i32
          %dma_start3A_58 = arith.constant 0 : i32
          %dma_start3A_59 = tpu.memref_slice %arg9[%dma_start3A, %dma_start3A_58] : memref<640x128xf32, #tpu.memory_space<vmem>> -> memref<624x128xf32, #tpu.memory_space<vmem>>
          %dma_start3A_60 = arith.constant 0 : i32
          %dma_start3A_61 = tpu.memref_slice %arg5[%mul3A_28, %dma_start3A_60] : memref<10000x128xf32, #tpu.memory_space<hbm>> -> memref<624x128xf32, #tpu.memory_space<hbm>>
          %dma_start3A_62 = arith.constant 0 : i32
          %dma_start3A_63 = tpu.memref_slice %arg5[%mul3A_28, %dma_start3A_62] : memref<10000x128xf32, #tpu.memory_space<hbm>> -> memref<624x128xf32, #tpu.memory_space<hbm>>
          %dma_start3A_64 = arith.constant 0 : i32
          %dma_start3A_65 = arith.constant 0 : i32
          %dma_start3A_66 = tpu.memref_slice %arg9[%dma_start3A_64, %dma_start3A_65] : memref<640x128xf32, #tpu.memory_space<vmem>> -> memref<624x128xf32, #tpu.memory_space<vmem>>
          tpu.enqueue_dma source(%dma_start3A_66 : memref<624x128xf32, #tpu.memory_space<vmem>>) target(%dma_start3A_63 : memref<624x128xf32, #tpu.memory_space<hbm>>) target_semaphore(%run_scoped3A : memref<!tpu.dma_semaphore, #tpu.memory_space<semaphore_mem>>)
          %dma_wait3A = arith.constant 0 : i32
          %dma_wait3A_67 = arith.constant 0 : i32
          %dma_wait3A_68 = tpu.memref_slice %arg9[%dma_wait3A, %dma_wait3A_67] : memref<640x128xf32, #tpu.memory_space<vmem>> -> memref<624x128xf32, #tpu.memory_space<vmem>>
          %dma_wait3A_69 = arith.constant 0 : i32
          %dma_wait3A_70 = tpu.memref_slice %arg5[%mul3A_28, %dma_wait3A_69] : memref<10000x128xf32, #tpu.memory_space<hbm>> -> memref<624x128xf32, #tpu.memory_space<hbm>>
          %dma_wait3A_71 = arith.constant 0 : i32
          %dma_wait3A_72 = tpu.memref_slice %arg5[%mul3A_28, %dma_wait3A_71] : memref<10000x128xf32, #tpu.memory_space<hbm>> -> memref<624x128xf32, #tpu.memory_space<hbm>>
          %dma_wait3A_73 = arith.constant 0 : i32
          %dma_wait3A_74 = arith.constant 0 : i32
          %dma_wait3A_75 = tpu.memref_slice %arg9[%dma_wait3A_73, %dma_wait3A_74] : memref<640x128xf32, #tpu.memory_space<vmem>> -> memref<624x128xf32, #tpu.memory_space<vmem>>
          tpu.wait_dma2 semaphore(%run_scoped3A : memref<!tpu.dma_semaphore, #tpu.memory_space<semaphore_mem>>) src(%dma_wait3A_75 : memref<624x128xf32, #tpu.memory_space<vmem>>) dst(%dma_wait3A_72 : memref<624x128xf32, #tpu.memory_space<hbm>>)
          tpu.yield
        }) : () -> ()
      } else {
      }
      %eq3A_53 = arith.constant 15 : i32
      %eq3A_54 = arith.cmpi eq, %arg1, %eq3A_53 : i32
      %convert_element_type3A_55 = arith.extui %eq3A_54 : i1 to i32
      %cond3A_56 = arith.constant 0 : i32
      %cond3A_57 = arith.cmpi ne, %convert_element_type3A_55, %cond3A_56 : i32
      scf.if %cond3A_57 {
        "tpu.region"() ({
          %run_scoped3A = tpu.sem_alloc : memref<!tpu.dma_semaphore, #tpu.memory_space<semaphore_mem>>
          %dma_start3A = arith.constant 0 : i32
          %dma_start3A_58 = tpu.memref_slice %arg5[%mul3A_28, %dma_start3A] : memref<10000x128xf32, #tpu.memory_space<hbm>> -> memref<640x128xf32, #tpu.memory_space<hbm>>
          %dma_start3A_59 = arith.constant 0 : i32
          %dma_start3A_60 = tpu.memref_slice %arg5[%mul3A_28, %dma_start3A_59] : memref<10000x128xf32, #tpu.memory_space<hbm>> -> memref<640x128xf32, #tpu.memory_space<hbm>>
          tpu.enqueue_dma source(%arg9 : memref<640x128xf32, #tpu.memory_space<vmem>>) target(%dma_start3A_60 : memref<640x128xf32, #tpu.memory_space<hbm>>) target_semaphore(%run_scoped3A : memref<!tpu.dma_semaphore, #tpu.memory_space<semaphore_mem>>)
          %dma_wait3A = arith.constant 0 : i32
          %dma_wait3A_61 = tpu.memref_slice %arg5[%mul3A_28, %dma_wait3A] : memref<10000x128xf32, #tpu.memory_space<hbm>> -> memref<640x128xf32, #tpu.memory_space<hbm>>
          %dma_wait3A_62 = arith.constant 0 : i32
          %dma_wait3A_63 = tpu.memref_slice %arg5[%mul3A_28, %dma_wait3A_62] : memref<10000x128xf32, #tpu.memory_space<hbm>> -> memref<640x128xf32, #tpu.memory_space<hbm>>
          tpu.wait_dma2 semaphore(%run_scoped3A : memref<!tpu.dma_semaphore, #tpu.memory_space<semaphore_mem>>) src(%arg9 : memref<640x128xf32, #tpu.memory_space<vmem>>) dst(%dma_wait3A_63 : memref<640x128xf32, #tpu.memory_space<hbm>>)
          tpu.yield
        }) : () -> ()
      } else {
      }
    } else {
    }
    return
  }
}

#map = affine_map<(d0, d1) -> (0, 0)>
#map1 = affine_map<(d0, d1) -> (0, 0, 0)>
module attributes {stable_mosaic.version = 14 : i64} {
  func.func @_message_pass(%arg0: i32, %arg1: i32, %arg2: memref<10000x128xf32, #tpu.memory_space<hbm>>, %arg3: memref<160x25x80xi32, #tpu.memory_space<hbm>>, %arg4: memref<160x25x80xi32, #tpu.memory_space<hbm>>, %arg5: memref<20000x128xf32, #tpu.memory_space<hbm>>, %arg6: memref<25x80xi32, #tpu.memory_space<vmem>>, %arg7: memref<25x80xi32, #tpu.memory_space<vmem>>, %arg8: memref<80x128xf32, #tpu.memory_space<vmem>>, %arg9: memref<80x128xf32, #tpu.memory_space<vmem>>, %arg10: memref<80x128xf32, #tpu.memory_space<vmem>>, %arg11: memref<16x128xf32, #tpu.memory_space<vmem>>, %arg12: memref<10000x128xf32, #tpu.memory_space<vmem_shared>>, %arg13: memref<!tpu.dma_semaphore, #tpu.memory_space<semaphore_mem>>, %arg14: memref<!tpu.dma_semaphore, #tpu.memory_space<semaphore_mem>>, %arg15: memref<!tpu.dma_semaphore, #tpu.memory_space<semaphore_mem>>, %arg16: memref<!tpu.dma_semaphore, #tpu.memory_space<semaphore_mem>>, %arg17: memref<!tpu.dma_semaphore, #tpu.memory_space<semaphore_mem>>, %arg18: memref<!tpu.dma_semaphore, #tpu.memory_space<semaphore_mem>>) attributes {dimension_semantics = [#tpu.dimension_semantics<core_parallel>, #tpu.dimension_semantics<subcore_parallel>], iteration_bounds = array<i64: 2, 16>, scalar_prefetch = 0 : i64, scratch_operands = 13 : i64, tpu.core_type = #tpu.core_type<sc_vector_subcore>, window_params = [{transform_indices = #map}, {transform_indices = #map1}, {transform_indices = #map1}, {transform_indices = #map}]} {
    %mul3A = arith.constant 16 : i32
    %mul3A_0 = arith.muli %arg0, %mul3A : i32
    %add3A = arith.addi %mul3A_0, %arg1 : i32
    %scan3A = arith.constant 0 : i32
    %scan3A_1 = arith.constant 16 : i32
    %scan3A_2 = arith.addi %scan3A, %scan3A_1 : i32
    %scan3A_3 = arith.constant 1 : i32
    scf.for %scan3A_55 = %scan3A to %scan3A_2 step %scan3A_3  : i32 {
      %mul3A_56 = arith.constant 1 : i32
      %mul3A_57 = arith.muli %scan3A_55, %mul3A_56 : i32
      %add3A_58 = arith.constant 0 : i32
      %add3A_59 = arith.addi %add3A_58, %mul3A_57 : i32
      %scan3A_60 = arith.constant 0 : i32
      %scan3A_61 = arith.constant 8 : i32
      %scan3A_62 = arith.addi %scan3A_60, %scan3A_61 : i32
      %scan3A_63 = arith.constant 1 : i32
      scf.for %scan3A_65 = %scan3A_60 to %scan3A_62 step %scan3A_63  : i32 {
        %mul3A_66 = arith.constant 1 : i32
        %mul3A_67 = arith.muli %scan3A_65, %mul3A_66 : i32
        %add3A_68 = arith.constant 0 : i32
        %add3A_69 = arith.addi %add3A_68, %mul3A_67 : i32
        %broadcast_in_dim3A = arith.constant 0.000000e+00 : f32
        %broadcast_in_dim3A_70 = vector.broadcast %broadcast_in_dim3A : f32 to vector<16xf32>
        %mul3A_71 = arith.constant 16 : i32
        %mul3A_72 = arith.muli %add3A_69, %mul3A_71 : i32
        %swap3A = arith.index_cast %add3A_59 : i32 to index
        %swap3A_73 = arith.index_cast %mul3A_72 : i32 to index
        %swap3A_74 = tpu.vector_load %arg11[%swap3A, %swap3A_73] {strides = array<i32>} : memref<16x128xf32, #tpu.memory_space<vmem>>, vector<1x16xf32>,
        %swap3A_75 = vector.shape_cast %swap3A_74 : vector<1x16xf32> to vector<16xf32>
        %swap3A_76 = vector.shape_cast %broadcast_in_dim3A_70 : vector<16xf32> to vector<1x16xf32>
        tpu.vector_store %arg11[%swap3A, %swap3A_73], %swap3A_76 {strides = array<i32>} : memref<16x128xf32, #tpu.memory_space<vmem>>, vector<1x16xf32>,
      }
      %scan3A_64 = arith.constant 8 : i32
    }
    %scan3A_4 = arith.constant 16 : i32
    %mul3A_5 = arith.constant 624 : i32
    %mul3A_6 = arith.muli %arg1, %mul3A_5 : i32
    %scan3A_7 = arith.constant 0 : i32
    %scan3A_8 = arith.constant 39 : i32
    %scan3A_9 = arith.addi %scan3A_7, %scan3A_8 : i32
    %scan3A_10 = arith.constant 1 : i32
    scf.for %scan3A_55 = %scan3A_7 to %scan3A_9 step %scan3A_10  : i32 {
      %mul3A_56 = arith.constant 1 : i32
      %mul3A_57 = arith.muli %scan3A_55, %mul3A_56 : i32
      %add3A_58 = arith.constant 0 : i32
      %add3A_59 = arith.addi %add3A_58, %mul3A_57 : i32
      %mul3A_60 = arith.constant 16 : i32
      %mul3A_61 = arith.muli %add3A_59, %mul3A_60 : i32
      %add3A_62 = arith.addi %mul3A_6, %mul3A_61 : i32
      %dma_start3A_63 = arith.constant 0 : i32
      %dma_start3A_64 = tpu.memref_slice %arg12[%add3A_62, %dma_start3A_63] : memref<10000x128xf32, #tpu.memory_space<vmem_shared>> -> memref<16x128xf32, #tpu.memory_space<vmem_shared>>
      %dma_start3A_65 = arith.constant 0 : i32
      %dma_start3A_66 = tpu.memref_slice %arg12[%add3A_62, %dma_start3A_65] : memref<10000x128xf32, #tpu.memory_space<vmem_shared>> -> memref<16x128xf32, #tpu.memory_space<vmem_shared>>
      tpu.enqueue_dma source(%arg11 : memref<16x128xf32, #tpu.memory_space<vmem>>) target(%dma_start3A_66 : memref<16x128xf32, #tpu.memory_space<vmem_shared>>) target_semaphore(%arg18 : memref<!tpu.dma_semaphore, #tpu.memory_space<semaphore_mem>>)
    }
    %scan3A_11 = arith.constant 39 : i32
    %eq3A = arith.constant 15 : i32
    %eq3A_12 = arith.cmpi eq, %arg1, %eq3A : i32
    %convert_element_type3A = arith.extui %eq3A_12 : i1 to i32
    %cond3A = arith.constant 0 : i32
    %cond3A_13 = arith.cmpi ne, %convert_element_type3A, %cond3A : i32
    scf.if %cond3A_13 {
      %dma_start3A_55 = arith.constant 9984 : i32
      %dma_start3A_56 = arith.constant 0 : i32
      %dma_start3A_57 = tpu.memref_slice %arg12[%dma_start3A_55, %dma_start3A_56] : memref<10000x128xf32, #tpu.memory_space<vmem_shared>> -> memref<16x128xf32, #tpu.memory_space<vmem_shared>>
      %dma_start3A_58 = arith.constant 9984 : i32
      %dma_start3A_59 = arith.constant 0 : i32
      %dma_start3A_60 = tpu.memref_slice %arg12[%dma_start3A_58, %dma_start3A_59] : memref<10000x128xf32, #tpu.memory_space<vmem_shared>> -> memref<16x128xf32, #tpu.memory_space<vmem_shared>>
      tpu.enqueue_dma source(%arg11 : memref<16x128xf32, #tpu.memory_space<vmem>>) target(%dma_start3A_60 : memref<16x128xf32, #tpu.memory_space<vmem_shared>>) target_semaphore(%arg18 : memref<!tpu.dma_semaphore, #tpu.memory_space<semaphore_mem>>)
    } else {
    }
    %mul3A_14 = arith.constant 5 : i32
    %mul3A_15 = arith.muli %add3A, %mul3A_14 : i32
    "tpu.region"() ({
      %run_scoped3A = tpu.sem_alloc : memref<!tpu.dma_semaphore, #tpu.memory_space<semaphore_mem>>
      %dma_start3A_55 = arith.constant 0 : i32
      %dma_start3A_56 = arith.constant 0 : i32
      %dma_start3A_57 = tpu.memref_slice %arg3[%mul3A_15, %dma_start3A_55, %dma_start3A_56] : memref<160x25x80xi32, #tpu.memory_space<hbm>> -> memref<1x25x80xi32, #tpu.memory_space<hbm>>
      %dma_start3A_58 = tpu.memref_squeeze %dma_start3A_57 : memref<1x25x80xi32, #tpu.memory_space<hbm>> -> memref<25x80xi32, #tpu.memory_space<hbm>>
      %dma_start3A_59 = arith.constant 0 : i32
      %dma_start3A_60 = arith.constant 0 : i32
      %dma_start3A_61 = tpu.memref_slice %arg3[%mul3A_15, %dma_start3A_59, %dma_start3A_60] : memref<160x25x80xi32, #tpu.memory_space<hbm>> -> memref<1x25x80xi32, #tpu.memory_space<hbm>>
      %dma_start3A_62 = tpu.memref_squeeze %dma_start3A_61 : memref<1x25x80xi32, #tpu.memory_space<hbm>> -> memref<25x80xi32, #tpu.memory_space<hbm>>
      tpu.enqueue_dma source(%dma_start3A_62 : memref<25x80xi32, #tpu.memory_space<hbm>>) target(%arg6 : memref<25x80xi32, #tpu.memory_space<vmem>>) target_semaphore(%run_scoped3A : memref<!tpu.dma_semaphore, #tpu.memory_space<semaphore_mem>>)
      %dma_wait3A = arith.constant 0 : i32
      %dma_wait3A_63 = arith.constant 0 : i32
      %dma_wait3A_64 = tpu.memref_slice %arg3[%mul3A_15, %dma_wait3A, %dma_wait3A_63] : memref<160x25x80xi32, #tpu.memory_space<hbm>> -> memref<1x25x80xi32, #tpu.memory_space<hbm>>
      %dma_wait3A_65 = tpu.memref_squeeze %dma_wait3A_64 : memref<1x25x80xi32, #tpu.memory_space<hbm>> -> memref<25x80xi32, #tpu.memory_space<hbm>>
      %dma_wait3A_66 = arith.constant 0 : i32
      %dma_wait3A_67 = arith.constant 0 : i32
      %dma_wait3A_68 = tpu.memref_slice %arg3[%mul3A_15, %dma_wait3A_66, %dma_wait3A_67] : memref<160x25x80xi32, #tpu.memory_space<hbm>> -> memref<1x25x80xi32, #tpu.memory_space<hbm>>
      %dma_wait3A_69 = tpu.memref_squeeze %dma_wait3A_68 : memref<1x25x80xi32, #tpu.memory_space<hbm>> -> memref<25x80xi32, #tpu.memory_space<hbm>>
      tpu.wait_dma2 semaphore(%run_scoped3A : memref<!tpu.dma_semaphore, #tpu.memory_space<semaphore_mem>>) src(%dma_wait3A_69 : memref<25x80xi32, #tpu.memory_space<hbm>>) dst(%arg6 : memref<25x80xi32, #tpu.memory_space<vmem>>)
      tpu.yield
    }) : () -> ()
    %mul3A_16 = arith.constant 5 : i32
    %mul3A_17 = arith.muli %add3A, %mul3A_16 : i32
    "tpu.region"() ({
      %run_scoped3A = tpu.sem_alloc : memref<!tpu.dma_semaphore, #tpu.memory_space<semaphore_mem>>
      %dma_start3A_55 = arith.constant 0 : i32
      %dma_start3A_56 = arith.constant 0 : i32
      %dma_start3A_57 = tpu.memref_slice %arg4[%mul3A_17, %dma_start3A_55, %dma_start3A_56] : memref<160x25x80xi32, #tpu.memory_space<hbm>> -> memref<1x25x80xi32, #tpu.memory_space<hbm>>
      %dma_start3A_58 = tpu.memref_squeeze %dma_start3A_57 : memref<1x25x80xi32, #tpu.memory_space<hbm>> -> memref<25x80xi32, #tpu.memory_space<hbm>>
      %dma_start3A_59 = arith.constant 0 : i32
      %dma_start3A_60 = arith.constant 0 : i32
      %dma_start3A_61 = tpu.memref_slice %arg4[%mul3A_17, %dma_start3A_59, %dma_start3A_60] : memref<160x25x80xi32, #tpu.memory_space<hbm>> -> memref<1x25x80xi32, #tpu.memory_space<hbm>>
      %dma_start3A_62 = tpu.memref_squeeze %dma_start3A_61 : memref<1x25x80xi32, #tpu.memory_space<hbm>> -> memref<25x80xi32, #tpu.memory_space<hbm>>
      tpu.enqueue_dma source(%dma_start3A_62 : memref<25x80xi32, #tpu.memory_space<hbm>>) target(%arg7 : memref<25x80xi32, #tpu.memory_space<vmem>>) target_semaphore(%run_scoped3A : memref<!tpu.dma_semaphore, #tpu.memory_space<semaphore_mem>>)
      %dma_wait3A = arith.constant 0 : i32
      %dma_wait3A_63 = arith.constant 0 : i32
      %dma_wait3A_64 = tpu.memref_slice %arg4[%mul3A_17, %dma_wait3A, %dma_wait3A_63] : memref<160x25x80xi32, #tpu.memory_space<hbm>> -> memref<1x25x80xi32, #tpu.memory_space<hbm>>
      %dma_wait3A_65 = tpu.memref_squeeze %dma_wait3A_64 : memref<1x25x80xi32, #tpu.memory_space<hbm>> -> memref<25x80xi32, #tpu.memory_space<hbm>>
      %dma_wait3A_66 = arith.constant 0 : i32
      %dma_wait3A_67 = arith.constant 0 : i32
      %dma_wait3A_68 = tpu.memref_slice %arg4[%mul3A_17, %dma_wait3A_66, %dma_wait3A_67] : memref<160x25x80xi32, #tpu.memory_space<hbm>> -> memref<1x25x80xi32, #tpu.memory_space<hbm>>
      %dma_wait3A_69 = tpu.memref_squeeze %dma_wait3A_68 : memref<1x25x80xi32, #tpu.memory_space<hbm>> -> memref<25x80xi32, #tpu.memory_space<hbm>>
      tpu.wait_dma2 semaphore(%run_scoped3A : memref<!tpu.dma_semaphore, #tpu.memory_space<semaphore_mem>>) src(%dma_wait3A_69 : memref<25x80xi32, #tpu.memory_space<hbm>>) dst(%arg7 : memref<25x80xi32, #tpu.memory_space<vmem>>)
      tpu.yield
    }) : () -> ()
    %dma_start3A = arith.constant 0 : i32
    %dma_start3A_18 = arith.constant 0 : i32
    %dma_start3A_19 = tpu.memref_slice %arg6[%dma_start3A, %dma_start3A_18] : memref<25x80xi32, #tpu.memory_space<vmem>> -> memref<1x80xi32, #tpu.memory_space<vmem>>
    %dma_start3A_20 = tpu.memref_squeeze %dma_start3A_19 : memref<1x80xi32, #tpu.memory_space<vmem>> -> memref<80xi32, #tpu.memory_space<vmem>>
    %dma_start3A_21 = arith.constant 0 : i32
    %dma_start3A_22 = arith.constant 0 : i32
    %dma_start3A_23 = tpu.memref_slice %arg2[%dma_start3A_21, %dma_start3A_22] : memref<10000x128xf32, #tpu.memory_space<hbm>> -> memref<10000x128xf32, #tpu.memory_space<hbm>>
    tpu.enqueue_indirect_dma source(%dma_start3A_23 : memref<10000x128xf32, #tpu.memory_space<hbm>>) target(%arg8 : memref<80x128xf32, #tpu.memory_space<vmem>>) offsets(%dma_start3A_20 : memref<80xi32, #tpu.memory_space<vmem>>) semaphore(%arg13 : memref<!tpu.dma_semaphore, #tpu.memory_space<semaphore_mem>>)
    %dma_start3A_24 = arith.constant 1 : i32
    %dma_start3A_25 = arith.constant 0 : i32
    %dma_start3A_26 = tpu.memref_slice %arg6[%dma_start3A_24, %dma_start3A_25] : memref<25x80xi32, #tpu.memory_space<vmem>> -> memref<1x80xi32, #tpu.memory_space<vmem>>
    %dma_start3A_27 = tpu.memref_squeeze %dma_start3A_26 : memref<1x80xi32, #tpu.memory_space<vmem>> -> memref<80xi32, #tpu.memory_space<vmem>>
    %dma_start3A_28 = arith.constant 0 : i32
    %dma_start3A_29 = arith.constant 0 : i32
    %dma_start3A_30 = tpu.memref_slice %arg2[%dma_start3A_28, %dma_start3A_29] : memref<10000x128xf32, #tpu.memory_space<hbm>> -> memref<10000x128xf32, #tpu.memory_space<hbm>>
    tpu.enqueue_indirect_dma source(%dma_start3A_30 : memref<10000x128xf32, #tpu.memory_space<hbm>>) target(%arg9 : memref<80x128xf32, #tpu.memory_space<vmem>>) offsets(%dma_start3A_27 : memref<80xi32, #tpu.memory_space<vmem>>) semaphore(%arg14 : memref<!tpu.dma_semaphore, #tpu.memory_space<semaphore_mem>>)
    %scan3A_31 = arith.constant 0 : i32
    %scan3A_32 = arith.constant 39 : i32
    %scan3A_33 = arith.addi %scan3A_31, %scan3A_32 : i32
    %scan3A_34 = arith.constant 1 : i32
    scf.for %scan3A_55 = %scan3A_31 to %scan3A_33 step %scan3A_34  : i32 {
      %mul3A_56 = arith.constant 1 : i32
      %mul3A_57 = arith.muli %scan3A_55, %mul3A_56 : i32
      %add3A_58 = arith.constant 0 : i32
      %add3A_59 = arith.addi %add3A_58, %mul3A_57 : i32
      %dma_wait3A = arith.constant 0 : i32
      %dma_wait3A_60 = tpu.memref_slice %arg12[%mul3A_6, %dma_wait3A] : memref<10000x128xf32, #tpu.memory_space<vmem_shared>> -> memref<16x128xf32, #tpu.memory_space<vmem_shared>>
      %dma_wait3A_61 = arith.constant 0 : i32
      %dma_wait3A_62 = tpu.memref_slice %arg12[%mul3A_6, %dma_wait3A_61] : memref<10000x128xf32, #tpu.memory_space<vmem_shared>> -> memref<16x128xf32, #tpu.memory_space<vmem_shared>>
      tpu.wait_dma2 semaphore(%arg18 : memref<!tpu.dma_semaphore, #tpu.memory_space<semaphore_mem>>) src(%arg11 : memref<16x128xf32, #tpu.memory_space<vmem>>) dst(%dma_wait3A_62 : memref<16x128xf32, #tpu.memory_space<vmem_shared>>)
    }
    %scan3A_35 = arith.constant 39 : i32
    %eq3A_36 = arith.constant 15 : i32
    %eq3A_37 = arith.cmpi eq, %arg1, %eq3A_36 : i32
    %convert_element_type3A_38 = arith.extui %eq3A_37 : i1 to i32
    %cond3A_39 = arith.constant 0 : i32
    %cond3A_40 = arith.cmpi ne, %convert_element_type3A_38, %cond3A_39 : i32
    scf.if %cond3A_40 {
      %dma_wait3A = arith.constant 0 : i32
      %dma_wait3A_55 = tpu.memref_slice %arg12[%mul3A_6, %dma_wait3A] : memref<10000x128xf32, #tpu.memory_space<vmem_shared>> -> memref<16x128xf32, #tpu.memory_space<vmem_shared>>
      %dma_wait3A_56 = arith.constant 0 : i32
      %dma_wait3A_57 = tpu.memref_slice %arg12[%mul3A_6, %dma_wait3A_56] : memref<10000x128xf32, #tpu.memory_space<vmem_shared>> -> memref<16x128xf32, #tpu.memory_space<vmem_shared>>
      tpu.wait_dma2 semaphore(%arg18 : memref<!tpu.dma_semaphore, #tpu.memory_space<semaphore_mem>>) src(%arg11 : memref<16x128xf32, #tpu.memory_space<vmem>>) dst(%dma_wait3A_57 : memref<16x128xf32, #tpu.memory_space<vmem_shared>>)
    } else {
    }
    %barrier3A = arith.constant 0 : index
    tpu.barrier barrier_id(%barrier3A)
    %scan3A_41 = arith.constant 0 : i32
    %scan3A_42 = arith.constant 5 : i32
    %scan3A_43 = arith.addi %scan3A_41, %scan3A_42 : i32
    %scan3A_44 = arith.constant 1 : i32
    scf.for %scan3A_55 = %scan3A_41 to %scan3A_43 step %scan3A_44  : i32 {
      %mul3A_56 = arith.constant 1 : i32
      %mul3A_57 = arith.muli %scan3A_55, %mul3A_56 : i32
      %add3A_58 = arith.constant 0 : i32
      %add3A_59 = arith.addi %add3A_58, %mul3A_57 : i32
      %gt3A = arith.constant 0 : i32
      %gt3A_60 = arith.cmpi sgt, %add3A_59, %gt3A : i32
      %convert_element_type3A_61 = arith.extui %gt3A_60 : i1 to i32
      %cond3A_62 = arith.constant 0 : i32
      %cond3A_63 = arith.cmpi ne, %convert_element_type3A_61, %cond3A_62 : i32
      scf.if %cond3A_63 {
        %mul3A_96 = arith.constant 5 : i32
        %mul3A_97 = arith.muli %add3A, %mul3A_96 : i32
        %add3A_98 = arith.addi %mul3A_97, %add3A_59 : i32
        "tpu.region"() ({
          %run_scoped3A = tpu.sem_alloc : memref<!tpu.dma_semaphore, #tpu.memory_space<semaphore_mem>>
          %dma_start3A_116 = arith.constant 0 : i32
          %dma_start3A_117 = arith.constant 0 : i32
          %dma_start3A_118 = tpu.memref_slice %arg3[%add3A_98, %dma_start3A_116, %dma_start3A_117] : memref<160x25x80xi32, #tpu.memory_space<hbm>> -> memref<1x25x80xi32, #tpu.memory_space<hbm>>
          %dma_start3A_119 = tpu.memref_squeeze %dma_start3A_118 : memref<1x25x80xi32, #tpu.memory_space<hbm>> -> memref<25x80xi32, #tpu.memory_space<hbm>>
          %dma_start3A_120 = arith.constant 0 : i32
          %dma_start3A_121 = arith.constant 0 : i32
          %dma_start3A_122 = tpu.memref_slice %arg3[%add3A_98, %dma_start3A_120, %dma_start3A_121] : memref<160x25x80xi32, #tpu.memory_space<hbm>> -> memref<1x25x80xi32, #tpu.memory_space<hbm>>
          %dma_start3A_123 = tpu.memref_squeeze %dma_start3A_122 : memref<1x25x80xi32, #tpu.memory_space<hbm>> -> memref<25x80xi32, #tpu.memory_space<hbm>>
          tpu.enqueue_dma source(%dma_start3A_123 : memref<25x80xi32, #tpu.memory_space<hbm>>) target(%arg6 : memref<25x80xi32, #tpu.memory_space<vmem>>) target_semaphore(%run_scoped3A : memref<!tpu.dma_semaphore, #tpu.memory_space<semaphore_mem>>)
          %dma_wait3A_124 = arith.constant 0 : i32
          %dma_wait3A_125 = arith.constant 0 : i32
          %dma_wait3A_126 = tpu.memref_slice %arg3[%add3A_98, %dma_wait3A_124, %dma_wait3A_125] : memref<160x25x80xi32, #tpu.memory_space<hbm>> -> memref<1x25x80xi32, #tpu.memory_space<hbm>>
          %dma_wait3A_127 = tpu.memref_squeeze %dma_wait3A_126 : memref<1x25x80xi32, #tpu.memory_space<hbm>> -> memref<25x80xi32, #tpu.memory_space<hbm>>
          %dma_wait3A_128 = arith.constant 0 : i32
          %dma_wait3A_129 = arith.constant 0 : i32
          %dma_wait3A_130 = tpu.memref_slice %arg3[%add3A_98, %dma_wait3A_128, %dma_wait3A_129] : memref<160x25x80xi32, #tpu.memory_space<hbm>> -> memref<1x25x80xi32, #tpu.memory_space<hbm>>
          %dma_wait3A_131 = tpu.memref_squeeze %dma_wait3A_130 : memref<1x25x80xi32, #tpu.memory_space<hbm>> -> memref<25x80xi32, #tpu.memory_space<hbm>>
          tpu.wait_dma2 semaphore(%run_scoped3A : memref<!tpu.dma_semaphore, #tpu.memory_space<semaphore_mem>>) src(%dma_wait3A_131 : memref<25x80xi32, #tpu.memory_space<hbm>>) dst(%arg6 : memref<25x80xi32, #tpu.memory_space<vmem>>)
          tpu.yield
        }) : () -> ()
        %mul3A_99 = arith.constant 5 : i32
        %mul3A_100 = arith.muli %add3A, %mul3A_99 : i32
        %add3A_101 = arith.addi %mul3A_100, %add3A_59 : i32
        "tpu.region"() ({
          %run_scoped3A = tpu.sem_alloc : memref<!tpu.dma_semaphore, #tpu.memory_space<semaphore_mem>>
          %dma_start3A_116 = arith.constant 0 : i32
          %dma_start3A_117 = arith.constant 0 : i32
          %dma_start3A_118 = tpu.memref_slice %arg4[%add3A_101, %dma_start3A_116, %dma_start3A_117] : memref<160x25x80xi32, #tpu.memory_space<hbm>> -> memref<1x25x80xi32, #tpu.memory_space<hbm>>
          %dma_start3A_119 = tpu.memref_squeeze %dma_start3A_118 : memref<1x25x80xi32, #tpu.memory_space<hbm>> -> memref<25x80xi32, #tpu.memory_space<hbm>>
          %dma_start3A_120 = arith.constant 0 : i32
          %dma_start3A_121 = arith.constant 0 : i32
          %dma_start3A_122 = tpu.memref_slice %arg4[%add3A_101, %dma_start3A_120, %dma_start3A_121] : memref<160x25x80xi32, #tpu.memory_space<hbm>> -> memref<1x25x80xi32, #tpu.memory_space<hbm>>
          %dma_start3A_123 = tpu.memref_squeeze %dma_start3A_122 : memref<1x25x80xi32, #tpu.memory_space<hbm>> -> memref<25x80xi32, #tpu.memory_space<hbm>>
          tpu.enqueue_dma source(%dma_start3A_123 : memref<25x80xi32, #tpu.memory_space<hbm>>) target(%arg7 : memref<25x80xi32, #tpu.memory_space<vmem>>) target_semaphore(%run_scoped3A : memref<!tpu.dma_semaphore, #tpu.memory_space<semaphore_mem>>)
          %dma_wait3A_124 = arith.constant 0 : i32
          %dma_wait3A_125 = arith.constant 0 : i32
          %dma_wait3A_126 = tpu.memref_slice %arg4[%add3A_101, %dma_wait3A_124, %dma_wait3A_125] : memref<160x25x80xi32, #tpu.memory_space<hbm>> -> memref<1x25x80xi32, #tpu.memory_space<hbm>>
          %dma_wait3A_127 = tpu.memref_squeeze %dma_wait3A_126 : memref<1x25x80xi32, #tpu.memory_space<hbm>> -> memref<25x80xi32, #tpu.memory_space<hbm>>
          %dma_wait3A_128 = arith.constant 0 : i32
          %dma_wait3A_129 = arith.constant 0 : i32
          %dma_wait3A_130 = tpu.memref_slice %arg4[%add3A_101, %dma_wait3A_128, %dma_wait3A_129] : memref<160x25x80xi32, #tpu.memory_space<hbm>> -> memref<1x25x80xi32, #tpu.memory_space<hbm>>
          %dma_wait3A_131 = tpu.memref_squeeze %dma_wait3A_130 : memref<1x25x80xi32, #tpu.memory_space<hbm>> -> memref<25x80xi32, #tpu.memory_space<hbm>>
          tpu.wait_dma2 semaphore(%run_scoped3A : memref<!tpu.dma_semaphore, #tpu.memory_space<semaphore_mem>>) src(%dma_wait3A_131 : memref<25x80xi32, #tpu.memory_space<hbm>>) dst(%arg7 : memref<25x80xi32, #tpu.memory_space<vmem>>)
          tpu.yield
        }) : () -> ()
        %dma_start3A_102 = arith.constant 0 : i32
        %dma_start3A_103 = arith.constant 0 : i32
        %dma_start3A_104 = tpu.memref_slice %arg6[%dma_start3A_102, %dma_start3A_103] : memref<25x80xi32, #tpu.memory_space<vmem>> -> memref<1x80xi32, #tpu.memory_space<vmem>>
        %dma_start3A_105 = tpu.memref_squeeze %dma_start3A_104 : memref<1x80xi32, #tpu.memory_space<vmem>> -> memref<80xi32, #tpu.memory_space<vmem>>
        %dma_start3A_106 = arith.constant 0 : i32
        %dma_start3A_107 = arith.constant 0 : i32
        %dma_start3A_108 = tpu.memref_slice %arg2[%dma_start3A_106, %dma_start3A_107] : memref<10000x128xf32, #tpu.memory_space<hbm>> -> memref<10000x128xf32, #tpu.memory_space<hbm>>
        tpu.enqueue_indirect_dma source(%dma_start3A_108 : memref<10000x128xf32, #tpu.memory_space<hbm>>) target(%arg8 : memref<80x128xf32, #tpu.memory_space<vmem>>) offsets(%dma_start3A_105 : memref<80xi32, #tpu.memory_space<vmem>>) semaphore(%arg13 : memref<!tpu.dma_semaphore, #tpu.memory_space<semaphore_mem>>)
        %dma_start3A_109 = arith.constant 1 : i32
        %dma_start3A_110 = arith.constant 0 : i32
        %dma_start3A_111 = tpu.memref_slice %arg6[%dma_start3A_109, %dma_start3A_110] : memref<25x80xi32, #tpu.memory_space<vmem>> -> memref<1x80xi32, #tpu.memory_space<vmem>>
        %dma_start3A_112 = tpu.memref_squeeze %dma_start3A_111 : memref<1x80xi32, #tpu.memory_space<vmem>> -> memref<80xi32, #tpu.memory_space<vmem>>
        %dma_start3A_113 = arith.constant 0 : i32
        %dma_start3A_114 = arith.constant 0 : i32
        %dma_start3A_115 = tpu.memref_slice %arg2[%dma_start3A_113, %dma_start3A_114] : memref<10000x128xf32, #tpu.memory_space<hbm>> -> memref<10000x128xf32, #tpu.memory_space<hbm>>
        tpu.enqueue_indirect_dma source(%dma_start3A_115 : memref<10000x128xf32, #tpu.memory_space<hbm>>) target(%arg9 : memref<80x128xf32, #tpu.memory_space<vmem>>) offsets(%dma_start3A_112 : memref<80xi32, #tpu.memory_space<vmem>>) semaphore(%arg14 : memref<!tpu.dma_semaphore, #tpu.memory_space<semaphore_mem>>)
      } else {
      }
      %scan3A_64 = arith.constant 0 : i32
      %scan3A_65 = arith.constant 8 : i32
      %scan3A_66 = arith.addi %scan3A_64, %scan3A_65 : i32
      %scan3A_67 = arith.constant 1 : i32
      scf.for %scan3A_96 = %scan3A_64 to %scan3A_66 step %scan3A_67  : i32 {
        %mul3A_97 = arith.constant 1 : i32
        %mul3A_98 = arith.muli %scan3A_96, %mul3A_97 : i32
        %add3A_99 = arith.constant 0 : i32
        %add3A_100 = arith.addi %add3A_99, %mul3A_98 : i32
        %mul3A_101 = arith.constant 3 : i32
        %mul3A_102 = arith.muli %mul3A_101, %add3A_100 : i32
        %add3A_103 = arith.constant 0 : i32
        %add3A_104 = arith.addi %mul3A_102, %add3A_103 : i32
        %dma_wait3A_105 = arith.constant 0 : i32
        %dma_wait3A_106 = arith.constant 0 : i32
        %dma_wait3A_107 = tpu.memref_slice %arg6[%dma_wait3A_105, %dma_wait3A_106] : memref<25x80xi32, #tpu.memory_space<vmem>> -> memref<1x80xi32, #tpu.memory_space<vmem>>
        %dma_wait3A_108 = tpu.memref_squeeze %dma_wait3A_107 : memref<1x80xi32, #tpu.memory_space<vmem>> -> memref<80xi32, #tpu.memory_space<vmem>>
        %dma_wait3A_109 = arith.constant 0 : i32
        %dma_wait3A_110 = arith.constant 0 : i32
        %dma_wait3A_111 = tpu.memref_slice %arg2[%dma_wait3A_109, %dma_wait3A_110] : memref<10000x128xf32, #tpu.memory_space<hbm>> -> memref<10000x128xf32, #tpu.memory_space<hbm>>
        tpu.wait_indirect_dma semaphore(%arg13 : memref<!tpu.dma_semaphore, #tpu.memory_space<semaphore_mem>>) src(%dma_wait3A_111 : memref<10000x128xf32, #tpu.memory_space<hbm>>) dst(%arg8 : memref<80x128xf32, #tpu.memory_space<vmem>>)
        %dma_start3A_112 = arith.constant 0 : i32
        %dma_start3A_113 = tpu.memref_slice %arg7[%add3A_104, %dma_start3A_112] : memref<25x80xi32, #tpu.memory_space<vmem>> -> memref<1x80xi32, #tpu.memory_space<vmem>>
        %dma_start3A_114 = tpu.memref_squeeze %dma_start3A_113 : memref<1x80xi32, #tpu.memory_space<vmem>> -> memref<80xi32, #tpu.memory_space<vmem>>
        %dma_start3A_115 = arith.constant 0 : i32
        %dma_start3A_116 = arith.constant 0 : i32
        %dma_start3A_117 = tpu.memref_slice %arg12[%dma_start3A_115, %dma_start3A_116] : memref<10000x128xf32, #tpu.memory_space<vmem_shared>> -> memref<10000x128xf32, #tpu.memory_space<vmem_shared>>
        tpu.enqueue_indirect_dma source(%arg8 : memref<80x128xf32, #tpu.memory_space<vmem>>) target(%dma_start3A_117 : memref<10000x128xf32, #tpu.memory_space<vmem_shared>>) offsets(%dma_start3A_114 : memref<80xi32, #tpu.memory_space<vmem>>) semaphore(%arg16 : memref<!tpu.dma_semaphore, #tpu.memory_space<semaphore_mem>>) {add = true}
        %gt3A_118 = arith.constant 0 : i32
        %gt3A_119 = arith.cmpi sgt, %add3A_104, %gt3A_118 : i32
        %convert_element_type3A_120 = arith.extui %gt3A_119 : i1 to i32
        %cond3A_121 = arith.constant 0 : i32
        %cond3A_122 = arith.cmpi ne, %convert_element_type3A_120, %cond3A_121 : i32
        scf.if %cond3A_122 {
          %dma_wait3A_191 = arith.constant 0 : i32
          %dma_wait3A_192 = arith.constant 0 : i32
          %dma_wait3A_193 = tpu.memref_slice %arg7[%dma_wait3A_191, %dma_wait3A_192] : memref<25x80xi32, #tpu.memory_space<vmem>> -> memref<1x80xi32, #tpu.memory_space<vmem>>
          %dma_wait3A_194 = tpu.memref_squeeze %dma_wait3A_193 : memref<1x80xi32, #tpu.memory_space<vmem>> -> memref<80xi32, #tpu.memory_space<vmem>>
          %dma_wait3A_195 = arith.constant 0 : i32
          %dma_wait3A_196 = arith.constant 0 : i32
          %dma_wait3A_197 = tpu.memref_slice %arg12[%dma_wait3A_195, %dma_wait3A_196] : memref<10000x128xf32, #tpu.memory_space<vmem_shared>> -> memref<10000x128xf32, #tpu.memory_space<vmem_shared>>
          tpu.wait_indirect_dma semaphore(%arg18 : memref<!tpu.dma_semaphore, #tpu.memory_space<semaphore_mem>>) src(%arg10 : memref<80x128xf32, #tpu.memory_space<vmem>>) dst(%dma_wait3A_197 : memref<10000x128xf32, #tpu.memory_space<vmem_shared>>)
        } else {
        }
        %add3A_123 = arith.constant 2 : i32
        %add3A_124 = arith.addi %add3A_104, %add3A_123 : i32
        %lt3A = arith.constant 25 : i32
        %lt3A_125 = arith.cmpi slt, %add3A_124, %lt3A : i32
        %convert_element_type3A_126 = arith.extui %lt3A_125 : i1 to i32
        %cond3A_127 = arith.constant 0 : i32
        %cond3A_128 = arith.cmpi ne, %convert_element_type3A_126, %cond3A_127 : i32
        scf.if %cond3A_128 {
          %add3A_191 = arith.constant 2 : i32
          %add3A_192 = arith.addi %add3A_104, %add3A_191 : i32
          %dma_start3A_193 = arith.constant 0 : i32
          %dma_start3A_194 = tpu.memref_slice %arg6[%add3A_192, %dma_start3A_193] : memref<25x80xi32, #tpu.memory_space<vmem>> -> memref<1x80xi32, #tpu.memory_space<vmem>>
          %dma_start3A_195 = tpu.memref_squeeze %dma_start3A_194 : memref<1x80xi32, #tpu.memory_space<vmem>> -> memref<80xi32, #tpu.memory_space<vmem>>
          %dma_start3A_196 = arith.constant 0 : i32
          %dma_start3A_197 = arith.constant 0 : i32
          %dma_start3A_198 = tpu.memref_slice %arg2[%dma_start3A_196, %dma_start3A_197] : memref<10000x128xf32, #tpu.memory_space<hbm>> -> memref<10000x128xf32, #tpu.memory_space<hbm>>
          tpu.enqueue_indirect_dma source(%dma_start3A_198 : memref<10000x128xf32, #tpu.memory_space<hbm>>) target(%arg10 : memref<80x128xf32, #tpu.memory_space<vmem>>) offsets(%dma_start3A_195 : memref<80xi32, #tpu.memory_space<vmem>>) semaphore(%arg15 : memref<!tpu.dma_semaphore, #tpu.memory_space<semaphore_mem>>)
        } else {
        }
        %mul3A_129 = arith.constant 3 : i32
        %mul3A_130 = arith.muli %mul3A_129, %add3A_100 : i32
        %add3A_131 = arith.constant 1 : i32
        %add3A_132 = arith.addi %mul3A_130, %add3A_131 : i32
        %dma_wait3A_133 = arith.constant 0 : i32
        %dma_wait3A_134 = arith.constant 0 : i32
        %dma_wait3A_135 = tpu.memref_slice %arg6[%dma_wait3A_133, %dma_wait3A_134] : memref<25x80xi32, #tpu.memory_space<vmem>> -> memref<1x80xi32, #tpu.memory_space<vmem>>
        %dma_wait3A_136 = tpu.memref_squeeze %dma_wait3A_135 : memref<1x80xi32, #tpu.memory_space<vmem>> -> memref<80xi32, #tpu.memory_space<vmem>>
        %dma_wait3A_137 = arith.constant 0 : i32
        %dma_wait3A_138 = arith.constant 0 : i32
        %dma_wait3A_139 = tpu.memref_slice %arg2[%dma_wait3A_137, %dma_wait3A_138] : memref<10000x128xf32, #tpu.memory_space<hbm>> -> memref<10000x128xf32, #tpu.memory_space<hbm>>
        tpu.wait_indirect_dma semaphore(%arg14 : memref<!tpu.dma_semaphore, #tpu.memory_space<semaphore_mem>>) src(%dma_wait3A_139 : memref<10000x128xf32, #tpu.memory_space<hbm>>) dst(%arg9 : memref<80x128xf32, #tpu.memory_space<vmem>>)
        %dma_start3A_140 = arith.constant 0 : i32
        %dma_start3A_141 = tpu.memref_slice %arg7[%add3A_132, %dma_start3A_140] : memref<25x80xi32, #tpu.memory_space<vmem>> -> memref<1x80xi32, #tpu.memory_space<vmem>>
        %dma_start3A_142 = tpu.memref_squeeze %dma_start3A_141 : memref<1x80xi32, #tpu.memory_space<vmem>> -> memref<80xi32, #tpu.memory_space<vmem>>
        %dma_start3A_143 = arith.constant 0 : i32
        %dma_start3A_144 = arith.constant 0 : i32
        %dma_start3A_145 = tpu.memref_slice %arg12[%dma_start3A_143, %dma_start3A_144] : memref<10000x128xf32, #tpu.memory_space<vmem_shared>> -> memref<10000x128xf32, #tpu.memory_space<vmem_shared>>
        tpu.enqueue_indirect_dma source(%arg9 : memref<80x128xf32, #tpu.memory_space<vmem>>) target(%dma_start3A_145 : memref<10000x128xf32, #tpu.memory_space<vmem_shared>>) offsets(%dma_start3A_142 : memref<80xi32, #tpu.memory_space<vmem>>) semaphore(%arg17 : memref<!tpu.dma_semaphore, #tpu.memory_space<semaphore_mem>>) {add = true}
        %dma_wait3A_146 = arith.constant 0 : i32
        %dma_wait3A_147 = arith.constant 0 : i32
        %dma_wait3A_148 = tpu.memref_slice %arg7[%dma_wait3A_146, %dma_wait3A_147] : memref<25x80xi32, #tpu.memory_space<vmem>> -> memref<1x80xi32, #tpu.memory_space<vmem>>
        %dma_wait3A_149 = tpu.memref_squeeze %dma_wait3A_148 : memref<1x80xi32, #tpu.memory_space<vmem>> -> memref<80xi32, #tpu.memory_space<vmem>>
        %dma_wait3A_150 = arith.constant 0 : i32
        %dma_wait3A_151 = arith.constant 0 : i32
        %dma_wait3A_152 = tpu.memref_slice %arg12[%dma_wait3A_150, %dma_wait3A_151] : memref<10000x128xf32, #tpu.memory_space<vmem_shared>> -> memref<10000x128xf32, #tpu.memory_space<vmem_shared>>
        tpu.wait_indirect_dma semaphore(%arg16 : memref<!tpu.dma_semaphore, #tpu.memory_space<semaphore_mem>>) src(%arg8 : memref<80x128xf32, #tpu.memory_space<vmem>>) dst(%dma_wait3A_152 : memref<10000x128xf32, #tpu.memory_space<vmem_shared>>)
        %add3A_153 = arith.constant 2 : i32
        %add3A_154 = arith.addi %add3A_132, %add3A_153 : i32
        %lt3A_155 = arith.constant 25 : i32
        %lt3A_156 = arith.cmpi slt, %add3A_154, %lt3A_155 : i32
        %convert_element_type3A_157 = arith.extui %lt3A_156 : i1 to i32
        %cond3A_158 = arith.constant 0 : i32
        %cond3A_159 = arith.cmpi ne, %convert_element_type3A_157, %cond3A_158 : i32
        scf.if %cond3A_159 {
          %add3A_191 = arith.constant 2 : i32
          %add3A_192 = arith.addi %add3A_132, %add3A_191 : i32
          %dma_start3A_193 = arith.constant 0 : i32
          %dma_start3A_194 = tpu.memref_slice %arg6[%add3A_192, %dma_start3A_193] : memref<25x80xi32, #tpu.memory_space<vmem>> -> memref<1x80xi32, #tpu.memory_space<vmem>>
          %dma_start3A_195 = tpu.memref_squeeze %dma_start3A_194 : memref<1x80xi32, #tpu.memory_space<vmem>> -> memref<80xi32, #tpu.memory_space<vmem>>
          %dma_start3A_196 = arith.constant 0 : i32
          %dma_start3A_197 = arith.constant 0 : i32
          %dma_start3A_198 = tpu.memref_slice %arg2[%dma_start3A_196, %dma_start3A_197] : memref<10000x128xf32, #tpu.memory_space<hbm>> -> memref<10000x128xf32, #tpu.memory_space<hbm>>
          tpu.enqueue_indirect_dma source(%dma_start3A_198 : memref<10000x128xf32, #tpu.memory_space<hbm>>) target(%arg8 : memref<80x128xf32, #tpu.memory_space<vmem>>) offsets(%dma_start3A_195 : memref<80xi32, #tpu.memory_space<vmem>>) semaphore(%arg13 : memref<!tpu.dma_semaphore, #tpu.memory_space<semaphore_mem>>)
        } else {
        }
        %mul3A_160 = arith.constant 3 : i32
        %mul3A_161 = arith.muli %mul3A_160, %add3A_100 : i32
        %add3A_162 = arith.constant 2 : i32
        %add3A_163 = arith.addi %mul3A_161, %add3A_162 : i32
        %dma_wait3A_164 = arith.constant 0 : i32
        %dma_wait3A_165 = arith.constant 0 : i32
        %dma_wait3A_166 = tpu.memref_slice %arg6[%dma_wait3A_164, %dma_wait3A_165] : memref<25x80xi32, #tpu.memory_space<vmem>> -> memref<1x80xi32, #tpu.memory_space<vmem>>
        %dma_wait3A_167 = tpu.memref_squeeze %dma_wait3A_166 : memref<1x80xi32, #tpu.memory_space<vmem>> -> memref<80xi32, #tpu.memory_space<vmem>>
        %dma_wait3A_168 = arith.constant 0 : i32
        %dma_wait3A_169 = arith.constant 0 : i32
        %dma_wait3A_170 = tpu.memref_slice %arg2[%dma_wait3A_168, %dma_wait3A_169] : memref<10000x128xf32, #tpu.memory_space<hbm>> -> memref<10000x128xf32, #tpu.memory_space<hbm>>
        tpu.wait_indirect_dma semaphore(%arg15 : memref<!tpu.dma_semaphore, #tpu.memory_space<semaphore_mem>>) src(%dma_wait3A_170 : memref<10000x128xf32, #tpu.memory_space<hbm>>) dst(%arg10 : memref<80x128xf32, #tpu.memory_space<vmem>>)
        %dma_start3A_171 = arith.constant 0 : i32
        %dma_start3A_172 = tpu.memref_slice %arg7[%add3A_163, %dma_start3A_171] : memref<25x80xi32, #tpu.memory_space<vmem>> -> memref<1x80xi32, #tpu.memory_space<vmem>>
        %dma_start3A_173 = tpu.memref_squeeze %dma_start3A_172 : memref<1x80xi32, #tpu.memory_space<vmem>> -> memref<80xi32, #tpu.memory_space<vmem>>
        %dma_start3A_174 = arith.constant 0 : i32
        %dma_start3A_175 = arith.constant 0 : i32
        %dma_start3A_176 = tpu.memref_slice %arg12[%dma_start3A_174, %dma_start3A_175] : memref<10000x128xf32, #tpu.memory_space<vmem_shared>> -> memref<10000x128xf32, #tpu.memory_space<vmem_shared>>
        tpu.enqueue_indirect_dma source(%arg10 : memref<80x128xf32, #tpu.memory_space<vmem>>) target(%dma_start3A_176 : memref<10000x128xf32, #tpu.memory_space<vmem_shared>>) offsets(%dma_start3A_173 : memref<80xi32, #tpu.memory_space<vmem>>) semaphore(%arg18 : memref<!tpu.dma_semaphore, #tpu.memory_space<semaphore_mem>>) {add = true}
        %dma_wait3A_177 = arith.constant 0 : i32
        %dma_wait3A_178 = arith.constant 0 : i32
        %dma_wait3A_179 = tpu.memref_slice %arg7[%dma_wait3A_177, %dma_wait3A_178] : memref<25x80xi32, #tpu.memory_space<vmem>> -> memref<1x80xi32, #tpu.memory_space<vmem>>
        %dma_wait3A_180 = tpu.memref_squeeze %dma_wait3A_179 : memref<1x80xi32, #tpu.memory_space<vmem>> -> memref<80xi32, #tpu.memory_space<vmem>>
        %dma_wait3A_181 = arith.constant 0 : i32
        %dma_wait3A_182 = arith.constant 0 : i32
        %dma_wait3A_183 = tpu.memref_slice %arg12[%dma_wait3A_181, %dma_wait3A_182] : memref<10000x128xf32, #tpu.memory_space<vmem_shared>> -> memref<10000x128xf32, #tpu.memory_space<vmem_shared>>
        tpu.wait_indirect_dma semaphore(%arg17 : memref<!tpu.dma_semaphore, #tpu.memory_space<semaphore_mem>>) src(%arg9 : memref<80x128xf32, #tpu.memory_space<vmem>>) dst(%dma_wait3A_183 : memref<10000x128xf32, #tpu.memory_space<vmem_shared>>)
        %add3A_184 = arith.constant 2 : i32
        %add3A_185 = arith.addi %add3A_163, %add3A_184 : i32
        %lt3A_186 = arith.constant 25 : i32
        %lt3A_187 = arith.cmpi slt, %add3A_185, %lt3A_186 : i32
        %convert_element_type3A_188 = arith.extui %lt3A_187 : i1 to i32
        %cond3A_189 = arith.constant 0 : i32
        %cond3A_190 = arith.cmpi ne, %convert_element_type3A_188, %cond3A_189 : i32
        scf.if %cond3A_190 {
          %add3A_191 = arith.constant 2 : i32
          %add3A_192 = arith.addi %add3A_163, %add3A_191 : i32
          %dma_start3A_193 = arith.constant 0 : i32
          %dma_start3A_194 = tpu.memref_slice %arg6[%add3A_192, %dma_start3A_193] : memref<25x80xi32, #tpu.memory_space<vmem>> -> memref<1x80xi32, #tpu.memory_space<vmem>>
          %dma_start3A_195 = tpu.memref_squeeze %dma_start3A_194 : memref<1x80xi32, #tpu.memory_space<vmem>> -> memref<80xi32, #tpu.memory_space<vmem>>
          %dma_start3A_196 = arith.constant 0 : i32
          %dma_start3A_197 = arith.constant 0 : i32
          %dma_start3A_198 = tpu.memref_slice %arg2[%dma_start3A_196, %dma_start3A_197] : memref<10000x128xf32, #tpu.memory_space<hbm>> -> memref<10000x128xf32, #tpu.memory_space<hbm>>
          tpu.enqueue_indirect_dma source(%dma_start3A_198 : memref<10000x128xf32, #tpu.memory_space<hbm>>) target(%arg9 : memref<80x128xf32, #tpu.memory_space<vmem>>) offsets(%dma_start3A_195 : memref<80xi32, #tpu.memory_space<vmem>>) semaphore(%arg14 : memref<!tpu.dma_semaphore, #tpu.memory_space<semaphore_mem>>)
        } else {
        }
      }
      %scan3A_68 = arith.constant 8 : i32
      %dma_wait3A = arith.constant 0 : i32
      %dma_wait3A_69 = arith.constant 0 : i32
      %dma_wait3A_70 = tpu.memref_slice %arg6[%dma_wait3A, %dma_wait3A_69] : memref<25x80xi32, #tpu.memory_space<vmem>> -> memref<1x80xi32, #tpu.memory_space<vmem>>
      %dma_wait3A_71 = tpu.memref_squeeze %dma_wait3A_70 : memref<1x80xi32, #tpu.memory_space<vmem>> -> memref<80xi32, #tpu.memory_space<vmem>>
      %dma_wait3A_72 = arith.constant 0 : i32
      %dma_wait3A_73 = arith.constant 0 : i32
      %dma_wait3A_74 = tpu.memref_slice %arg2[%dma_wait3A_72, %dma_wait3A_73] : memref<10000x128xf32, #tpu.memory_space<hbm>> -> memref<10000x128xf32, #tpu.memory_space<hbm>>
      tpu.wait_indirect_dma semaphore(%arg13 : memref<!tpu.dma_semaphore, #tpu.memory_space<semaphore_mem>>) src(%dma_wait3A_74 : memref<10000x128xf32, #tpu.memory_space<hbm>>) dst(%arg8 : memref<80x128xf32, #tpu.memory_space<vmem>>)
      %dma_start3A_75 = arith.constant 24 : i32
      %dma_start3A_76 = arith.constant 0 : i32
      %dma_start3A_77 = tpu.memref_slice %arg7[%dma_start3A_75, %dma_start3A_76] : memref<25x80xi32, #tpu.memory_space<vmem>> -> memref<1x80xi32, #tpu.memory_space<vmem>>
      %dma_start3A_78 = tpu.memref_squeeze %dma_start3A_77 : memref<1x80xi32, #tpu.memory_space<vmem>> -> memref<80xi32, #tpu.memory_space<vmem>>
      %dma_start3A_79 = arith.constant 0 : i32
      %dma_start3A_80 = arith.constant 0 : i32
      %dma_start3A_81 = tpu.memref_slice %arg12[%dma_start3A_79, %dma_start3A_80] : memref<10000x128xf32, #tpu.memory_space<vmem_shared>> -> memref<10000x128xf32, #tpu.memory_space<vmem_shared>>
      tpu.enqueue_indirect_dma source(%arg8 : memref<80x128xf32, #tpu.memory_space<vmem>>) target(%dma_start3A_81 : memref<10000x128xf32, #tpu.memory_space<vmem_shared>>) offsets(%dma_start3A_78 : memref<80xi32, #tpu.memory_space<vmem>>) semaphore(%arg16 : memref<!tpu.dma_semaphore, #tpu.memory_space<semaphore_mem>>) {add = true}
      %dma_wait3A_82 = arith.constant 0 : i32
      %dma_wait3A_83 = arith.constant 0 : i32
      %dma_wait3A_84 = tpu.memref_slice %arg7[%dma_wait3A_82, %dma_wait3A_83] : memref<25x80xi32, #tpu.memory_space<vmem>> -> memref<1x80xi32, #tpu.memory_space<vmem>>
      %dma_wait3A_85 = tpu.memref_squeeze %dma_wait3A_84 : memref<1x80xi32, #tpu.memory_space<vmem>> -> memref<80xi32, #tpu.memory_space<vmem>>
      %dma_wait3A_86 = arith.constant 0 : i32
      %dma_wait3A_87 = arith.constant 0 : i32
      %dma_wait3A_88 = tpu.memref_slice %arg12[%dma_wait3A_86, %dma_wait3A_87] : memref<10000x128xf32, #tpu.memory_space<vmem_shared>> -> memref<10000x128xf32, #tpu.memory_space<vmem_shared>>
      tpu.wait_indirect_dma semaphore(%arg18 : memref<!tpu.dma_semaphore, #tpu.memory_space<semaphore_mem>>) src(%arg10 : memref<80x128xf32, #tpu.memory_space<vmem>>) dst(%dma_wait3A_88 : memref<10000x128xf32, #tpu.memory_space<vmem_shared>>)
      %dma_wait3A_89 = arith.constant 0 : i32
      %dma_wait3A_90 = arith.constant 0 : i32
      %dma_wait3A_91 = tpu.memref_slice %arg7[%dma_wait3A_89, %dma_wait3A_90] : memref<25x80xi32, #tpu.memory_space<vmem>> -> memref<1x80xi32, #tpu.memory_space<vmem>>
      %dma_wait3A_92 = tpu.memref_squeeze %dma_wait3A_91 : memref<1x80xi32, #tpu.memory_space<vmem>> -> memref<80xi32, #tpu.memory_space<vmem>>
      %dma_wait3A_93 = arith.constant 0 : i32
      %dma_wait3A_94 = arith.constant 0 : i32
      %dma_wait3A_95 = tpu.memref_slice %arg12[%dma_wait3A_93, %dma_wait3A_94] : memref<10000x128xf32, #tpu.memory_space<vmem_shared>> -> memref<10000x128xf32, #tpu.memory_space<vmem_shared>>
      tpu.wait_indirect_dma semaphore(%arg16 : memref<!tpu.dma_semaphore, #tpu.memory_space<semaphore_mem>>) src(%arg8 : memref<80x128xf32, #tpu.memory_space<vmem>>) dst(%dma_wait3A_95 : memref<10000x128xf32, #tpu.memory_space<vmem_shared>>)
    }
    %scan3A_45 = arith.constant 5 : i32
    %barrier3A_46 = arith.constant 0 : index
    tpu.barrier barrier_id(%barrier3A_46)
    %mul3A_47 = arith.constant 10000 : i32
    %mul3A_48 = arith.muli %arg0, %mul3A_47 : i32
    %add3A_49 = arith.addi %mul3A_48, %mul3A_6 : i32
    "tpu.region"() ({
      %run_scoped3A = tpu.sem_alloc : memref<!tpu.dma_semaphore, #tpu.memory_space<semaphore_mem>>
      %dma_start3A_55 = arith.constant 0 : i32
      %dma_start3A_56 = tpu.memref_slice %arg5[%add3A_49, %dma_start3A_55] : memref<20000x128xf32, #tpu.memory_space<hbm>> -> memref<624x128xf32, #tpu.memory_space<hbm>>
      %dma_start3A_57 = arith.constant 0 : i32
      %dma_start3A_58 = tpu.memref_slice %arg12[%mul3A_6, %dma_start3A_57] : memref<10000x128xf32, #tpu.memory_space<vmem_shared>> -> memref<624x128xf32, #tpu.memory_space<vmem_shared>>
      tpu.enqueue_dma source(%dma_start3A_58 : memref<624x128xf32, #tpu.memory_space<vmem_shared>>) target(%dma_start3A_56 : memref<624x128xf32, #tpu.memory_space<hbm>>) target_semaphore(%run_scoped3A : memref<!tpu.dma_semaphore, #tpu.memory_space<semaphore_mem>>)
      %dma_wait3A = arith.constant 0 : i32
      %dma_wait3A_59 = tpu.memref_slice %arg5[%add3A_49, %dma_wait3A] : memref<20000x128xf32, #tpu.memory_space<hbm>> -> memref<624x128xf32, #tpu.memory_space<hbm>>
      %dma_wait3A_60 = arith.constant 0 : i32
      %dma_wait3A_61 = tpu.memref_slice %arg12[%mul3A_6, %dma_wait3A_60] : memref<10000x128xf32, #tpu.memory_space<vmem_shared>> -> memref<624x128xf32, #tpu.memory_space<vmem_shared>>
      tpu.wait_dma2 semaphore(%run_scoped3A : memref<!tpu.dma_semaphore, #tpu.memory_space<semaphore_mem>>) src(%dma_wait3A_61 : memref<624x128xf32, #tpu.memory_space<vmem_shared>>) dst(%dma_wait3A_59 : memref<624x128xf32, #tpu.memory_space<hbm>>)
      tpu.yield
    }) : () -> ()
    %eq3A_50 = arith.constant 15 : i32
    %eq3A_51 = arith.cmpi eq, %arg1, %eq3A_50 : i32
    %convert_element_type3A_52 = arith.extui %eq3A_51 : i1 to i32
    %cond3A_53 = arith.constant 0 : i32
    %cond3A_54 = arith.cmpi ne, %convert_element_type3A_52, %cond3A_53 : i32
    scf.if %cond3A_54 {
      %mul3A_55 = arith.constant 10000 : i32
      %mul3A_56 = arith.muli %arg0, %mul3A_55 : i32
      %add3A_57 = arith.constant 9984 : i32
      %add3A_58 = arith.addi %mul3A_56, %add3A_57 : i32
      "tpu.region"() ({
        %run_scoped3A = tpu.sem_alloc : memref<!tpu.dma_semaphore, #tpu.memory_space<semaphore_mem>>
        %dma_start3A_59 = arith.constant 0 : i32
        %dma_start3A_60 = tpu.memref_slice %arg5[%add3A_58, %dma_start3A_59] : memref<20000x128xf32, #tpu.memory_space<hbm>> -> memref<16x128xf32, #tpu.memory_space<hbm>>
        %dma_start3A_61 = arith.constant 9984 : i32
        %dma_start3A_62 = arith.constant 0 : i32
        %dma_start3A_63 = tpu.memref_slice %arg12[%dma_start3A_61, %dma_start3A_62] : memref<10000x128xf32, #tpu.memory_space<vmem_shared>> -> memref<16x128xf32, #tpu.memory_space<vmem_shared>>
        tpu.enqueue_dma source(%dma_start3A_63 : memref<16x128xf32, #tpu.memory_space<vmem_shared>>) target(%dma_start3A_60 : memref<16x128xf32, #tpu.memory_space<hbm>>) target_semaphore(%run_scoped3A : memref<!tpu.dma_semaphore, #tpu.memory_space<semaphore_mem>>)
        %dma_wait3A = arith.constant 0 : i32
        %dma_wait3A_64 = tpu.memref_slice %arg5[%add3A_58, %dma_wait3A] : memref<20000x128xf32, #tpu.memory_space<hbm>> -> memref<16x128xf32, #tpu.memory_space<hbm>>
        %dma_wait3A_65 = arith.constant 9984 : i32
        %dma_wait3A_66 = arith.constant 0 : i32
        %dma_wait3A_67 = tpu.memref_slice %arg12[%dma_wait3A_65, %dma_wait3A_66] : memref<10000x128xf32, #tpu.memory_space<vmem_shared>> -> memref<16x128xf32, #tpu.memory_space<vmem_shared>>
        tpu.wait_dma2 semaphore(%run_scoped3A : memref<!tpu.dma_semaphore, #tpu.memory_space<semaphore_mem>>) src(%dma_wait3A_67 : memref<16x128xf32, #tpu.memory_space<vmem_shared>>) dst(%dma_wait3A_64 : memref<16x128xf32, #tpu.memory_space<hbm>>)
        tpu.yield
      }) : () -> ()
    } else {
    }
    return
  }
}

module attributes {stable_mosaic.version = 14 : i64} {
  func.func @_feat_body(%arg0: i32, %arg1: memref<1000x128xf32, #tpu.memory_space<vmem>>, %arg2: memref<1000x128xf32, #tpu.memory_space<vmem>>, %arg3: memref<1000x128xf32, #tpu.memory_space<vmem>>) attributes {dimension_semantics = [#tpu.dimension_semantics<arbitrary>], iteration_bounds = array<i64: 10>, scalar_prefetch = 0 : i64, scratch_operands = 0 : i64, tpu.core_type = #tpu.core_type<tc>, window_params = [{transform_indices = @transform_0, window_bounds = array<i64: 1000, 128>}, {transform_indices = @transform_1, window_bounds = array<i64: 1000, 128>}, {transform_indices = @transform_2, window_bounds = array<i64: 1000, 128>}]} {
    %get3A = arith.constant 0 : index
    %get3A_0 = arith.constant 0 : index
    %get3A_1 = vector.load %arg2[%get3A, %get3A_0] : memref<1000x128xf32, #tpu.memory_space<vmem>>, vector<1000x128xf32>
    %max3A = arith.constant 1.000000e+00 : f32
    %max3A_2 = vector.broadcast %max3A : f32 to vector<1000x128xf32>
    %max3A_3 = arith.maximumf %get3A_1, %max3A_2 : vector<1000x128xf32>
    %rsqrt3A = math.rsqrt %max3A_3 : vector<1000x128xf32>
    %get3A_4 = arith.constant 0 : index
    %get3A_5 = arith.constant 0 : index
    %get3A_6 = vector.load %arg1[%get3A_4, %get3A_5] : memref<1000x128xf32, #tpu.memory_space<vmem>>, vector<1000x128xf32>
    %mul3A = arith.mulf %get3A_6, %rsqrt3A : vector<1000x128xf32>
    %swap3A = arith.constant 0 : index
    %swap3A_7 = arith.constant 0 : index
    %swap3A_8 = vector.load %arg3[%swap3A, %swap3A_7] : memref<1000x128xf32, #tpu.memory_space<vmem>>, vector<1000x128xf32>
    tpu.vector_store %arg3[%swap3A, %swap3A_7], %mul3A {strides = array<i32>} : memref<1000x128xf32, #tpu.memory_space<vmem>>, vector<1000x128xf32>,
    return
  }
  func.func @transform_0(%arg0: i32) -> (i32, i32) {
    %c0_i32 = arith.constant 0 : i32
    %c0_i32_0 = arith.constant 0 : i32
    return %arg0, %c0_i32 : i32, i32
  }
  func.func @transform_1(%arg0: i32) -> (i32, i32) {
    %c0_i32 = arith.constant 0 : i32
    %c0_i32_0 = arith.constant 0 : i32
    return %arg0, %c0_i32 : i32, i32
  }
  func.func @transform_2(%arg0: i32) -> (i32, i32) {
    %c0_i32 = arith.constant 0 : i32
    %c0_i32_0 = arith.constant 0 : i32
    return %arg0, %c0_i32 : i32, i32
  }
}

module attributes {stable_mosaic.version = 14 : i64} {
  func.func @_out_body(%arg0: i32, %arg1: memref<2x1000x128xf32, #tpu.memory_space<vmem>>, %arg2: memref<1000x128xf32, #tpu.memory_space<vmem>>, %arg3: memref<1000x128xf32, #tpu.memory_space<vmem>>, %arg4: memref<128x128xf32, #tpu.memory_space<vmem>>, %arg5: memref<128x128xf32, #tpu.memory_space<vmem>>, %arg6: memref<1000x128xf32, #tpu.memory_space<vmem>>) attributes {dimension_semantics = [#tpu.dimension_semantics<arbitrary>], iteration_bounds = array<i64: 10>, scalar_prefetch = 0 : i64, scratch_operands = 0 : i64, tpu.core_type = #tpu.core_type<tc>, window_params = [{transform_indices = @transform_0, window_bounds = array<i64: 2, 1000, 128>}, {transform_indices = @transform_1, window_bounds = array<i64: 1000, 128>}, {transform_indices = @transform_2, window_bounds = array<i64: 1000, 128>}, {pipeline_mode = #tpu.pipeline_mode<synchronous>, transform_indices = @transform_3, window_bounds = array<i64: 128, 128>}, {pipeline_mode = #tpu.pipeline_mode<synchronous>, transform_indices = @transform_4, window_bounds = array<i64: 128, 128>}, {transform_indices = @transform_5, window_bounds = array<i64: 1000, 128>}]} {
    %get3A = arith.constant 0 : index
    %get3A_0 = arith.constant 0 : index
    %get3A_1 = arith.constant 0 : index
    %get3A_2 = vector.load %arg1[%get3A, %get3A_0, %get3A_1] : memref<2x1000x128xf32, #tpu.memory_space<vmem>>, vector<1x1000x128xf32>
    %get3A_3 = vector.shape_cast %get3A_2 : vector<1x1000x128xf32> to vector<1000x128xf32>
    %get3A_4 = arith.constant 1 : index
    %get3A_5 = arith.constant 0 : index
    %get3A_6 = arith.constant 0 : index
    %get3A_7 = vector.load %arg1[%get3A_4, %get3A_5, %get3A_6] : memref<2x1000x128xf32, #tpu.memory_space<vmem>>, vector<1x1000x128xf32>
    %get3A_8 = vector.shape_cast %get3A_7 : vector<1x1000x128xf32> to vector<1000x128xf32>
    %add3A = arith.addf %get3A_3, %get3A_8 : vector<1000x128xf32>
    %get3A_9 = arith.constant 0 : index
    %get3A_10 = arith.constant 0 : index
    %get3A_11 = vector.load %arg3[%get3A_9, %get3A_10] : memref<1000x128xf32, #tpu.memory_space<vmem>>, vector<1000x128xf32>
    %max3A = arith.constant 1.000000e+00 : f32
    %max3A_12 = vector.broadcast %max3A : f32 to vector<1000x128xf32>
    %max3A_13 = arith.maximumf %get3A_11, %max3A_12 : vector<1000x128xf32>
    %rsqrt3A = math.rsqrt %max3A_13 : vector<1000x128xf32>
    %get3A_14 = arith.constant 0 : index
    %get3A_15 = arith.constant 0 : index
    %get3A_16 = vector.load %arg4[%get3A_14, %get3A_15] : memref<128x128xf32, #tpu.memory_space<vmem>>, vector<128x128xf32>
    %dot_general3A = arith.constant dense<0.000000e+00> : vector<1000x128xf32>
    %dot_general3A_17 = tpu.matmul %add3A, %get3A_16, %dot_general3A {dimension_numbers = #tpu.dot_dimension_numbers<[1], [0], [0], [1], [0, 0, 1, 1], [], []>, transpose_lhs_hint = false} : vector<1000x128xf32>, vector<128x128xf32>, vector<1000x128xf32> -> vector<1000x128xf32>
    %get3A_18 = arith.constant 0 : index
    %get3A_19 = arith.constant 0 : index
    %get3A_20 = vector.load %arg2[%get3A_18, %get3A_19] : memref<1000x128xf32, #tpu.memory_space<vmem>>, vector<1000x128xf32>
    %mul3A = arith.mulf %get3A_20, %add3A : vector<1000x128xf32>
    %get3A_21 = arith.constant 0 : index
    %get3A_22 = arith.constant 0 : index
    %get3A_23 = vector.load %arg5[%get3A_21, %get3A_22] : memref<128x128xf32, #tpu.memory_space<vmem>>, vector<128x128xf32>
    %dot_general3A_24 = arith.constant dense<0.000000e+00> : vector<1000x128xf32>
    %dot_general3A_25 = tpu.matmul %mul3A, %get3A_23, %dot_general3A_24 {dimension_numbers = #tpu.dot_dimension_numbers<[1], [0], [0], [1], [0, 0, 1, 1], [], []>, transpose_lhs_hint = false} : vector<1000x128xf32>, vector<128x128xf32>, vector<1000x128xf32> -> vector<1000x128xf32>
    %add3A_26 = arith.addf %dot_general3A_17, %dot_general3A_25 : vector<1000x128xf32>
    %mul3A_27 = arith.mulf %add3A_26, %rsqrt3A : vector<1000x128xf32>
    %swap3A = arith.constant 0 : index
    %swap3A_28 = arith.constant 0 : index
    %swap3A_29 = vector.load %arg6[%swap3A, %swap3A_28] : memref<1000x128xf32, #tpu.memory_space<vmem>>, vector<1000x128xf32>
    tpu.vector_store %arg6[%swap3A, %swap3A_28], %mul3A_27 {strides = array<i32>} : memref<1000x128xf32, #tpu.memory_space<vmem>>, vector<1000x128xf32>,
    return
  }
  func.func @transform_0(%arg0: i32) -> (i32, i32, i32) {
    %c0_i32 = arith.constant 0 : i32
    %c0_i32_0 = arith.constant 0 : i32
    %c0_i32_1 = arith.constant 0 : i32
    return %c0_i32, %arg0, %c0_i32_0 : i32, i32, i32
  }
  func.func @transform_1(%arg0: i32) -> (i32, i32) {
    %c0_i32 = arith.constant 0 : i32
    %c0_i32_0 = arith.constant 0 : i32
    return %arg0, %c0_i32 : i32, i32
  }
  func.func @transform_2(%arg0: i32) -> (i32, i32) {
    %c0_i32 = arith.constant 0 : i32
    %c0_i32_0 = arith.constant 0 : i32
    return %arg0, %c0_i32 : i32, i32
  }
  func.func @transform_3(%arg0: i32) -> (i32, i32) {
    %c0_i32 = arith.constant 0 : i32
    %c0_i32_0 = arith.constant 0 : i32
    %c0_i32_1 = arith.constant 0 : i32
    return %c0_i32, %c0_i32_0 : i32, i32
  }
  func.func @transform_4(%arg0: i32) -> (i32, i32) {
    %c0_i32 = arith.constant 0 : i32
    %c0_i32_0 = arith.constant 0 : i32
    %c0_i32_1 = arith.constant 0 : i32
    return %c0_i32, %c0_i32_0 : i32, i32
  }
  func.func @transform_5(%arg0: i32) -> (i32, i32) {
    %c0_i32 = arith.constant 0 : i32
    %c0_i32_0 = arith.constant 0 : i32
    return %arg0, %c0_i32 : i32, i32
  }
}

</mosaic_0001>

<sc_bundles>
// kernel: kernel.6.cloned.1.call-start
scs
__scs_entry_jumppad:
0x0: {  	(pc) =	sbr.rel $0x88, $3  }
0x1: {  	(tag) =	ssettag $0x0;
	lr =	simm.s32 $0x1  }
0x2: {  	[smem:$0x3F9D] =	sst lr;
	_ =	strace $0xD0000000  }
0x3: {  	_ = 	snop  }
0x4: {  	_ = 	snop  }
0x5: {  	_ = 	snop  }
0x6: {  	_ = 	snop  }
0x7: {  	_ = 	snop  }
__scs_overlays_trampoline_lowered:
0x8: {  	[smem:$0x3FAC] =	sst s0  }
0x9: {  	[smem:$0x3FAD] =	sst s1  }
0xa: {  	[smem:$0x3FAE] =	sst s2  }
0xb: {  	[smem:$0x3FAF] =	sst s3  }
0xc: {  	[smem:$0x3FB0] =	sst s4  }
0xd: {  	[smem:$0x3FB1] =	sst s5  }
0xe: {  	[smem:$0x3FB2] =	sst s6  }
0xf: {  	[smem:$0x3FB3] =	sst s7  }
0x10: {  	[smem:$0x3FB4] =	sst s8  }
0x11: {  	[smem:$0x3FB5] =	sst s9;
	s0 =	simm.s32 @!p0 $0x0  }
0x12: {  	s1 =	sld [smem:$0x3F9B];
	s0 =	simm.s32 @p0 $0x1  }
0x13: {  	[smem:$0x3FB6] =	sst s0;
	s0 =	simm.s32 @!p1 $0x0  }
0x14: {  	s2 =	sld [smem:$0x3F9A];
	s0 =	simm.s32 @p1 $0x1  }
0x15: {  	[smem:$0x3FB7] =	sst s0;
	s0 =	simm.s32 @!p2 $0x0  }
0x16: {  	s3 =	sld [smem:$0x3FDB];
	s0 =	simm.s32 @p2 $0x1  }
0x17: {  	s4 =	simm.s32 $0x1BF5;
	[smem:$0x3FB9] =	sst s0  }
0x18: {  	s0 =	sld [smem:$0x3F9C];
	_ =	swait.ge [sflag:s4], $0x0  }
0x19: {  	s7 =	sld [smem:$0x3F9D]  }
0x1a: {  	s8 =	sadd.s32 $0xFFFFE003, lr  }
0x1b: {  	s9 =	sadd.s32 $0xFFFFFEF7, lr;
	s5 =	simm.s32 $0xFFFFFFFF;
	p2 =	slt.u32 s8, $0xFFFFF086  }
0x1c: {  	p1 =	slt.u32 s9, $0xF7A;
	s5 =	simm.s32 @!p2 $0x0  }
0x1d: {  	s5 =	simm.s32 @p1 $0x1;
	p0 =	seq.s32 s7, s2  }
0x1e: {  	s7 =	smul.u32 @!p0 $0xF7A, s2;
	p2 =	seq.s32 @!p0 s5, $0x0  }
0x1f: {  	s9 =	smul.u32 $0xF7A, s1;
	s8 =	simm.s32 @!p0 $0x1BF5;
	p2 =	por !p2, p0  }
0x20: {  	[sflag:s8] =	ssyncset.s32 @!p0 $0xFFFFF086;
	s6 =	sadd.s32 @!p0 s3, s7;
	s7 =	simm.s32 @!p0 $0x108  }
0x21: {  	s3 =	sadd.s32 s3, s9;
	s6 =	sadd.s32 @!p0 $0x88, s6;
	s7 =	simm.s32 @p2 $0x1082  }
0x22: {  	[simem:s7], [sflag:s8] =	dma.local @!p0 [hbm:s6], $0xF7A  }
0x23: {  	s9 =	sor.u32 $0xD0000000, s2;
	s6 =	simm.s32 $0x108;
	_ =	swait.ge @!p0 [sflag:s8], $0x0  }
0x24: {  	s3 =	sadd.s32 $0x88, s3;
	s6 =	simm.s32 @!p1 $0x1082;
	[sflag:s4] =	ssyncset.s32 $0xFFFFF086  }
0x25: {  	[simem:s6], [sflag:s4] =	dma.local [hbm:s3], $0xF7A  }
0x26: {  	[smem:$0x3F9D] =	sst s1;
	(tag) =	ssettag s2;
	_ =	strace s9  }
0x27: {  	s1 =	sld [smem:$0x3FAD]  }
0x28: {  	s2 =	sld [smem:$0x3FAE]  }
0x29: {  	s4 =	sld [smem:$0x3FB0]  }
0x2a: {  	p0 =	seq.s32 s5, $0x0;
	s5 =	sld [smem:$0x3FB1]  }
0x2b: {  	s6 =	sld [smem:$0x3FB2]  }
0x2c: {  	s7 =	sld [smem:$0x3FB3]  }
0x2d: {  	s3 =	simm.s32 $0x108;
	s8 =	sld [smem:$0x3FB4]  }
0x2e: {  	s3 =	simm.s32 @!p0 $0x1082;
	s9 =	sld [smem:$0x3FB5]  }
0x2f: {  	lr =	sadd.s32 s0, s3;
	s0 =	sld [smem:$0x3FAC]  }
0x30: {  	s3 =	sld [smem:$0x3FAF]  }
0x31: {  	[smem:$0x3FB8] =	sst s10  }
0x32: {  	s10 =	sld [smem:$0x3FB6];
	_ =	sdelay $0x3  }
0x33: {  	p0 =	seq.s32 s10, $0x1;
	s10 =	sld [smem:$0x3FB8];
	_ =	sdelay $0x3  }
0x34: {  	[smem:$0x3FB8] =	sst s10  }
0x35: {  	s10 =	sld [smem:$0x3FB7];
	_ =	sdelay $0x3  }
0x36: {  	p1 =	seq.s32 s10, $0x1;
	s10 =	sld [smem:$0x3FB8];
	_ =	sdelay $0x3  }
0x37: {  	[smem:$0x3FB8] =	sst s10  }
0x38: {  	s10 =	sld [smem:$0x3FB9]  }
0x39: {  	_ = 	snop;
	(pc) =	sbr.ind lr, $3  }
0x3a: {  	_ = 	snop  }
0x3b: {  	_ = 	snop  }
0x3c: {  	p2 =	seq.s32 s10, $0x1;
	s10 =	sld [smem:$0x3FB8]  }
0x3d: {  	_ =	shalt  }
0x3e: {  	_ =	shalt  }
0x3f: {  	_ =	shalt  }
0x40: {  	_ =	shalt  }
0x41: {  	_ =	shalt  }
0x42: {  	_ =	shalt  }
0x43: {  	_ =	shalt  }
0x44: {  	_ =	shalt  }
0x45: {  	_ =	shalt  }
0x46: {  	_ =	shalt  }
0x47: {  	_ =	shalt  }
0x48: {  	_ =	shalt  }
0x49: {  	_ =	shalt  }
0x4a: {  	_ =	shalt  }
0x4b: {  	_ =	shalt  }
0x4c: {  	_ =	shalt  }
0x4d: {  	_ =	shalt  }
0x4e: {  	_ =	shalt  }
0x4f: {  	_ =	shalt  }
0x50: {  	_ =	shalt  }
0x51: {  	_ =	shalt  }
0x52: {  	_ =	shalt  }
0x53: {  	_ =	shalt  }
0x54: {  	_ =	shalt  }
0x55: {  	_ =	shalt  }
0x56: {  	_ =	shalt  }
0x57: {  	_ =	shalt  }
0x58: {  	_ =	shalt  }
0x59: {  	_ =	shalt  }
0x5a: {  	_ =	shalt  }
0x5b: {  	_ =	shalt  }
0x5c: {  	_ =	shalt  }
0x5d: {  	_ =	shalt  }
0x5e: {  	_ =	shalt  }
0x5f: {  	_ =	shalt  }
0x60: {  	_ =	shalt  }
0x61: {  	_ =	shalt  }
0x62: {  	_ =	shalt  }
0x63: {  	_ =	shalt  }
0x64: {  	_ =	shalt  }
0x65: {  	_ =	shalt  }
0x66: {  	_ =	shalt  }
0x67: {  	_ =	shalt  }
0x68: {  	_ =	shalt  }
0x69: {  	_ =	shalt  }
0x6a: {  	_ =	shalt  }
0x6b: {  	_ =	shalt  }
0x6c: {  	_ =	shalt  }
0x6d: {  	_ =	shalt  }
0x6e: {  	_ =	shalt  }
0x6f: {  	_ =	shalt  }
0x70: {  	_ =	shalt  }
0x71: {  	_ =	shalt  }
0x72: {  	_ =	shalt  }
0x73: {  	_ =	shalt  }
0x74: {  	_ =	shalt  }
0x75: {  	_ =	shalt  }
0x76: {  	_ =	shalt  }
0x77: {  	_ =	shalt  }
0x78: {  	_ =	shalt  }
0x79: {  	_ =	shalt  }
0x7a: {  	_ =	shalt  }
0x7b: {  	_ =	shalt  }
0x7c: {  	_ =	shalt  }
0x7d: {  	_ =	shalt  }
0x7e: {  	_ =	shalt  }
0x7f: {  	_ =	shalt  }
0x80: {  	_ =	shalt  }
0x81: {  	_ =	shalt  }
0x82: {  	_ =	shalt  }
0x83: {  	_ =	shalt  }
0x84: {  	_ =	shalt  }
0x85: {  	_ =	shalt  }
0x86: {  	_ =	shalt  }
0x87: {  	_ =	shalt  }
.Lfunc_end0:
.L_simem_size_0:
called_computation_lowered:
.L_overlay_start_0:
0x88: {  	s2 =	sld [smem:$0x3FD9]  }
0x89: {  	s3 =	sld [smem:$0x3FFE];
	_ =	sdelay $0x1  }
0x8a: {  	s1 =	srdreg.scid  }
0x8b: {  	s0 =	sand.u32 $0x1, s1  }
0x8c: {  	s17 =	sshll.u32 s0, $0xA;
	s2 =	sadd.s32 s3, s2  }
0x8d: {  	s2 =	sadd.s32 s2, s17  }
0x8e: {  	[smem:$0x3FC4] =	sst s2  }
0x8f: {  	_ = 	snop  }
0x90: {  	s2 =	sld [smem:$0x3FD0];
	(tm) =	ssettm $0x1  }
0x91: {  	s18 =	sld [smem:$0x3FFB];
	_ =	sdelay $0x3  }
0x92: {  	_ =	strace s18  }
0x93: {  	s3 =	sld [smem:$0x3FFC];
	_ =	sdelay $0x3  }
0x94: {  	_ =	strace s3  }
0x95: {  	s3 =	sld [smem:$0x3FFD];
	_ =	sdelay $0x3  }
0x96: {  	_ =	strace s3  }
0x97: {  	_ =	strace $0x8FFFFFFF  }
0x98: {  	s19 =	sld [smem:$0x3FDB];
	_ =	sdelay $0x1  }
0x99: {  	s4 =	simm.s32 $_scs_section_size  }
0x9a: {  	s5 =	simm.s32 $_size__tile_overlayer_lowered;
	s6 =	simm.s32 $_tile_overlayer_lowered  }
0x9b: {  	s22 =	simm.s32 $0x1BFF;
	s21 =	sshll.u32 s6, $0x1;
	s3 =	sadd.s32 s4, s19  }
0x9c: {  	s7 =	simm.s32 $0x0;
	s20 =	sshll.u32 s5, $0x1;
	s5 =	sadd.s32 s21, s3  }
0x9d: {  	[timem:s7], [sflag:s22] =	dma.local [hbm:s5], s20  }
0x9e: {  	_ =	swait.ge [sflag:s22], s20  }
0x9f: {  	s4 =	ssub.s32 $0x0, s20;
	[sflag:s22] =	ssyncset.done $0x0  }
0xa0: {  	[sflag:s22] =	ssyncadd.s32 s4;
	_ =	sdelay $0x1  }
0xa1: {  	s23 =	simm.s32 $0x1B8B  }
0xa2: {  	_ =	swait.ge [sflag:s23], $0x1  }
0xa3: {  	[sflag:s23] =	ssyncset.done $0x0  }
0xa4: {  	s25 =	simm.s32 $0x1B8E;
	s24 =	sld [smem:$0x3FFE];
	[sflag:s23] =	ssyncadd.s32 $0xFFFFFFFF  }
0xa5: {  	s26 =	simm.s32 $execute0_lowered;
	[smem:$0x3FD2] =	sst s25  }
0xa6: {  	s5 =	sshll.u32 s26, $0x1;
	_ =	strace $0x80000046;
	[dreg:$0x1] =	wrdreg $0xFFFFFFFF  }
0xa7: {  	s28 =	simm.s32 $_size_execute0_lowered;
	s3 =	sadd.s32 s3, s5;
	[dreg:$0x0] =	wrdreg $0x0  }
0xa8: {  	s5 =	sshll.u32 s28, $0x1;
	[dreg:$0x2] =	wrdreg s3  }
0xa9: {  	[dreg:$0x3] =	wrdreg s5  }
0xaa: {  	[dreg:$0x4] =	wrdreg $0xC0  }
0xab: {  	_ =	task [dreg:s7], $0x5FFFF  }
0xac: {  	[dreg:$0x1] =	wrdreg $0xFFFFFFFF  }
0xad: {  	[dreg:$0x0] =	wrdreg $0x60  }
0xae: {  	[dreg:$0x2] =	wrdreg s24  }
0xaf: {  	[dreg:$0x3] =	wrdreg s2  }
0xb0: {  	[dreg:$0x4] =	wrdreg $0x1E8800  }
0xb1: {  	[dreg:$0x5] =	wrdreg $0x9  }
0xb2: {  	_ =	task.clear_ibuf [dreg:s7], $0x6FFFF;
	_ =	strace $0x90000046  }
0xb3: {  	s29 =	simm.s32 $0x9;
	_ =	strace $0x80000048  }
0xb4: {  	_ =	swait.ge [sflag:s29], $0x1  }
0xb5: {  	[sflag:s29] =	ssyncadd.s32 $0xFFFFFFFF  }
0xb6: {  	_ =	strace $0x90000048  }
0xb7: {  	_ =	sfence  }
0xb8: {  	s30 =	sld [smem:$0x0];
	_ =	sdelay $0x2  }
0xb9: {  	s31 =	sshll.u32 s1, $0xD;
	s1 =	sshrl.u32 s1, $0x2  }
0xba: {  	s3 =	sand.u32 $0x4000, s31;
	s1 =	sadd.s32 s1, s30  }
0xbb: {  	s0 =	sor.u32 s3, s0;
	s1 =	sshll.u32 s1, $0x11  }
0xbc: {  	s0 =	sor.u32 s1, s0  }
0xbd: {  	s0 =	sadd.s32 $0x8F2B, s0  }
0xbe: {  	[sflag:s0] =	ssyncadd.remote.s32 $0x1  }
0xbf: {  	_ =	sfence.sel $0xFFFF  }
0xc0: {  	[dreg:$0x0] =	wrdreg $0xFFFFFFFF;
	(pc) =	sbr.abs _section_cstart, $3  }
0xc1: {  	[dreg:$0x1] =	wrdreg $0xFFFFFFFF  }
0xc2: {  	_ =	task.clear_ibuf [dreg:s7], $0x2FFFF;
	_ =	strace $0x9FFFFFFF  }
0xc3: {  	(tm) =	ssettm $0x7FFFFFFF  }
tec
execute0_lowered:
.L_overlay_start_1:
0x0: {  	(tag) =	ssettag $0x1  }
0x1: {  	s8 =	rddreg [dreg:$0x0]  }
0x2: {  	s7 =	rddreg [dreg:$0x1]  }
0x3: {  	s1 =	rddreg [dreg:$0x2]  }
0x4: {  	s0 =	rddreg [dreg:$0x3];
	s3 =	srdreg.scid  }
0x5: {  	s2 =	simm.s32 $0x0;
	s12 =	stileid.u32;
	s13 =	simm.s32 $0x12000  }
0x6: {  	s14 =	simm.s32 $0x0;
	s3 =	sand.u32 $0x1, s3;
	[smem:$0x7FF] =	sst s2  }
0x7: {  	s5 =	smul.u32 $0x2700, s12;
	s11 =	sshll.u32 s12, $0xC;
	p1 =	sne.s32 s12, $0x0  }
0x8: {  	p2 =	seq.s32 s12, $0xF;
	s4 =	ssub.s32 $0x2, s3;
	_ =	strace $0x80000047  }
0x9: {  	p0 =	seq.s32 s3, $0x0;
	s3 =	smul.u32 $0x270, s12;
	s12 =	simm.s32 $0x50  }
.Ltmp0:
0xa: {  	s6 =	sshrl.u32 s4, $0x1;
	s9 =	sadd.s32 s5, s8;
	(pc) =	sbr.rel .LBB2_1-.Ltmp0, $4  }
0xb: {  	s5 =	sadd.s32 s7, s5;
	s13 =	simm.s32 @!p0 $0x2000;
	s7 =	sadd.s32 $0x24900, s7  }
0xc: {  	v0 =	vlaneseq.u32;
	s10 =	ssub.s32 s4, s6;
	s4 =	sadd.s32 $0x22000, s9;
	s6 =	sadd.s32 $0x46900, s8  }
0xd: {  	v1 =	vimm.f32 $0.0e+00;
	v6 =	vimm.f32 $1.000000000e+00;
	v2 =	vor.u32 $0x10, v0;
	s31 =	sadd.s32 s13, s8;
	s13 =	simm.s32 $0xA800;
	s8 =	smax.u32 s10, $0x1  }
0xe: {  	v3 =	vor.u32 $0x20, v0;
	v4 =	vor.u32 $0x30, v0;
	v5 =	vor.u32 $0x40, v0;
	s9 =	sadd.s32 s31, s11;
	s10 =	simm.s32 $0x1;
	s11 =	simm.s32 $0x8000  }
.LBB2_8:
0xf: {  	v8 =	vmov s17;
	[tilespmem:s15+$0xFFFFFFF0] =	vst v7  }
0x10: {  	[tilespmem:s15+$0x0] =	vst v7  }
0x11: {  	[tilespmem:s15+$0x10] =	vst v7  }
0x12: {  	[tilespmem:s15+$0x20] =	vst v7  }
0x13: {  	[tilespmem:s15+$0x30] =	vst v7  }
0x14: {  	v7 =	vld.idx.msk [tilespmem:v8+s11+$0x0], $0xffff;
	_ =	sdelay $0x3  }
0x15: {  	s31 =	sadd.s32 $0x80, s15  }
0x16: {  	[tilespmem:s31+$0xFFFFFFC0] =	vst v7  }
0x17: {  	[tilespmem:s31+$0xFFFFFFD0] =	vst v7  }
0x18: {  	[tilespmem:s31+$0xFFFFFFE0] =	vst v7  }
0x19: {  	[tilespmem:s31+$0xFFFFFFF0] =	vst v7  }
0x1a: {  	[tilespmem:s31+$0x0] =	vst v7  }
0x1b: {  	[tilespmem:s31+$0x10] =	vst v7  }
0x1c: {  	[tilespmem:s31+$0x20] =	vst v7  }
0x1d: {  	s15 =	simm.s32 @p0 $0x0;
	s16 =	simm.s32 @p0 $0xA880;
	[tilespmem:s31+$0x30] =	vst v7  }
0x1e: {  	[hbm4b:s5+s15] =	stream.linear.scatter @p0 [tilespmem:s16], [sflag:$0x1], $0x13800, $0x38;
	[tilespmem:$0x1EB00] =	vst v63  }
0x1f: {  	s15 =	simm.s32 @p0 $0x1  }
0x20: {  	_ =	swait.ge @p0 [sflag:s15], $0x13800  }
0x21: {  	[sflag:s15] =	ssyncset.done @p0 $0x0  }
0x22: {  	s16 =	simm.s32 @!p0 $0xA880;
	[sflag:s15] =	ssyncadd.s32 @p0 $0xFFFEC800;
	s15 =	simm.s32 @!p0 $0x0  }
0x23: {  	[hbm4b:s4+s15] =	stream.linear.scatter @!p0 [tilespmem:s16], [sflag:$0x1], $0x13800, $0x38;
	[tilespmem:$0x1EB00] =	vst v63  }
0x24: {  	s15 =	simm.s32 @!p0 $0x1  }
0x25: {  	_ =	swait.ge @!p0 [sflag:s15], $0x13800  }
0x26: {  	[sflag:s15] =	ssyncset.done @!p0 $0x0  }
0x27: {  	[sflag:s15] =	ssyncadd.s32 @!p0 $0xFFFEC800  }
.LBB2_12:
0x28: {  	s14 =	sadd.s32 $0x1, s14  }
0x29: {  	p3 =	sne.s32 s14, s8  }
.Ltmp1:
0x2a: {  	_ = 	snop;
	(pc) =	sbr.rel @!p3 .LBB2_13-.Ltmp1, $1  }
0x2b: {  	_ =	sdelay $0x3  }
.LBB2_1:
0x2c: {  	s15 =	simm.s32 $0x70;
	s16 =	simm.s32 $0x3C0  }
.LBB2_2:
0x2d: {  	p3 =	sne.s32 s16, $0x9FC0;
	[tilespmem:s15+$0x8000] =	vst v1  }
0x2e: {  	[tilespmem:s15+$0x7F90] =	vst v1  }
0x2f: {  	[tilespmem:s15+$0x7FA0] =	vst v1  }
.Ltmp2:
0x30: {  	[tilespmem:s15+$0x7FB0] =	vst v1;
	(pc) =	sbr.rel @p3 .LBB2_2-.Ltmp2, $4  }
0x31: {  	[tilespmem:s15+$0x7FC0] =	vst v1  }
0x32: {  	[tilespmem:s15+$0x7FD0] =	vst v1  }
0x33: {  	[tilespmem:s15+$0x7FE0] =	vst v1  }
0x34: {  	[tilespmem:s15+$0x7FF0] =	vst v1;
	s15 =	sshra.s32 s16, $0x2;
	s16 =	sadd.s32 $0x200, s16  }
0x35: {  	[tilespmem:s15+$0x8000] =	vst v1  }
0x36: {  	[tilespmem:s15+$0x7F90] =	vst v1  }
0x37: {  	[tilespmem:s15+$0x7FA0] =	vst v1  }
0x38: {  	[tilespmem:s15+$0x7FB0] =	vst v1  }
0x39: {  	[tilespmem:s15+$0x7FC0] =	vst v1  }
0x3a: {  	[tilespmem:s15+$0x7FD0] =	vst v1  }
0x3b: {  	[tilespmem:s15+$0x7FE0] =	vst v1  }
0x3c: {  	[tilespmem:s15+$0x7FF0] =	vst v1  }
0x3d: {  	[tilespmem:$0xA800] =	vst v0  }
0x3e: {  	[tilespmem:$0xA810] =	vst v2  }
0x3f: {  	[tilespmem:$0xA820] =	vst v3  }
0x40: {  	[tilespmem:$0xA830] =	vst v4  }
0x41: {  	s15 =	simm.s32 @!p1 $0x50;
	s16 =	simm.s32 @!p1 $0xA800;
	s17 =	simm.s32 @!p1 $0x8000;
	[tilespmem:$0xA840] =	vst v5  }
0x42: {  	[spmem:s1] =	stream.indirect.scatter @!p1 [tilespmem:s17], [sflag:$0x1], $0x80, s16, s15, $0xb8;
	[tilespmem:$0x1EB00] =	vst v63  }
0x43: {  	s15 =	simm.s32 @!p1 $0x1  }
0x44: {  	_ =	swait.ge @!p1 [sflag:s15], $0x2800  }
0x45: {  	[sflag:s15] =	ssyncset.done @!p1 $0x0  }
0x46: {  	[sflag:s15] =	ssyncadd.s32 @!p1 $0xFFFFD800  }
0x47: {  	[tilespmem:s2], [sflag:$0x1] =	stream.linear.gather [hbm4b:s9+s2], $0x7D00, $0x38;
	[tilespmem:$0x1EB00] =	vst v63  }
0x48: {  	_ =	swait.ge [sflag:s10], $0x7D00  }
0x49: {  	[sflag:s10] =	ssyncset.done $0x0  }
0x4a: {  	[sflag:s10] =	ssyncadd.s32 $0xFFFF8300  }
0x4b: {  	s15 =	simm.s32 $0x100;
	[bflag:$0x0] =	sbarrier.arrive $0xFFFF  }
.LBB2_4:
0x4c: {  	s16 =	sshra.s32 s15, $0x2  }
0x4d: {  	v7 =	vld [tilespmem:s16+$0xFFFFFFC0];
	_ =	sdelay $0x7  }
0x4e: {  	[tilespmem:v7+s11+$0x0] =	vst.idx.add.f32.msk $0xffff, v6  }
0x4f: {  	v7 =	vld [tilespmem:s16+$0xFFFFFFD0];
	_ =	sdelay $0x7  }
0x50: {  	[tilespmem:v7+s11+$0x0] =	vst.idx.add.f32.msk $0xffff, v6  }
0x51: {  	v7 =	vld [tilespmem:s16+$0xFFFFFFE0];
	_ =	sdelay $0x7  }
0x52: {  	[tilespmem:v7+s11+$0x0] =	vst.idx.add.f32.msk $0xffff, v6  }
0x53: {  	v7 =	vld [tilespmem:s16+$0xFFFFFFF0];
	_ =	sdelay $0x7  }
0x54: {  	[tilespmem:v7+s11+$0x0] =	vst.idx.add.f32.msk $0xffff, v6  }
0x55: {  	v7 =	vld [tilespmem:s16+$0x0];
	_ =	sdelay $0x2  }
0x56: {  	p3 =	sne.s32 s15, $0x1F300  }
.Ltmp3:
0x57: {  	_ = 	snop;
	(pc) =	sbr.rel @p3 .LBB2_4-.Ltmp3, $2  }
0x58: {  	_ =	sdelay $0x2  }
0x59: {  	s15 =	sadd.s32 $0x200, s15;
	[tilespmem:v7+s11+$0x0] =	vst.idx.add.f32.msk $0xffff, v6  }
0x5a: {  	[spmem:s1] =	stream.indirect.scatter.add.f32 [tilespmem:s11], [sflag:$0x1], $0x80, s13, s12, $0xb8;
	[tilespmem:$0x1EB00] =	vst v63  }
0x5b: {  	_ =	swait.ge [sflag:s10], $0x2800  }
0x5c: {  	[sflag:s10] =	ssyncset.done $0x0  }
0x5d: {  	[sflag:s10] =	ssyncadd.s32 $0xFFFFD800  }
.Ltmp4:
0x5e: {  	[bflag:$0x0] =	sbarrier.arrive $0xFFFF;
	(pc) =	sbr.rel @!p2 .LBB2_6-.Ltmp4, $4  }
0x5f: {  	[tilespmem:s11], [sflag:$0x1] =	stream.linear.gather [spmem:s1], $0x2800, $0x38;
	[tilespmem:$0x1EB00] =	vst v63  }
0x60: {  	s16 =	simm.s32 $0x0;
	_ =	swait.ge [sflag:s10], $0x2800  }
0x61: {  	s17 =	sadd.s32 s16, s3;
	[sflag:s10] =	ssyncset.done $0x0  }
0x62: {  	s15 =	simm.s32 $0xA8C0;
	v7 =	vmov s17;
	[sflag:s10] =	ssyncadd.s32 $0xFFFFD800  }
0x63: {  	_ =	sdelay $0x3  }
0x64: {  	v7 =	vld.idx.msk [tilespmem:v7+s11+$0x0], $0xffff;
	_ =	sdelay $0x4  }
0x65: {  	[tilespmem:s15+$0xFFFFFFC0] =	vst v7  }
0x66: {  	s16 =	sadd.s32 $0x1, s16;
	[tilespmem:s15+$0xFFFFFFD0] =	vst v7  }
0x67: {  	s17 =	sadd.s32 s16, s3;
	s16 =	sadd.s32 $0x1, s16;
	[tilespmem:s15+$0xFFFFFFE0] =	vst v7  }
.LBB2_10:
0x68: {  	p3 =	sne.s32 s16, $0x27F;
	v8 =	vmov s17;
	[tilespmem:s15+$0xFFFFFFF0] =	vst v7  }
0x69: {  	[tilespmem:s15+$0x0] =	vst v7  }
0x6a: {  	[tilespmem:s15+$0x10] =	vst v7  }
0x6b: {  	[tilespmem:s15+$0x20] =	vst v7  }
0x6c: {  	[tilespmem:s15+$0x30] =	vst v7  }
0x6d: {  	v7 =	vld.idx.msk [tilespmem:v8+s11+$0x0], $0xffff;
	_ =	sdelay $0x3  }
.Ltmp5:
0x6e: {  	(pc) =	sbr.rel @p3 .LBB2_10-.Ltmp5, $4  }
0x6f: {  	s15 =	sadd.s32 $0x80, s15  }
0x70: {  	[tilespmem:s15+$0xFFFFFFC0] =	vst v7  }
0x71: {  	[tilespmem:s15+$0xFFFFFFD0] =	vst v7  }
0x72: {  	s17 =	sadd.s32 s16, s3;
	s16 =	sadd.s32 $0x1, s16;
	[tilespmem:s15+$0xFFFFFFE0] =	vst v7  }
0x73: {  	v8 =	vmov s17;
	[tilespmem:s15+$0xFFFFFFF0] =	vst v7  }
0x74: {  	[tilespmem:s15+$0x0] =	vst v7  }
0x75: {  	[tilespmem:s15+$0x10] =	vst v7  }
0x76: {  	[tilespmem:s15+$0x20] =	vst v7  }
0x77: {  	[tilespmem:s15+$0x30] =	vst v7  }
0x78: {  	v7 =	vld.idx.msk [tilespmem:v8+s11+$0x0], $0xffff;
	_ =	sdelay $0x3  }
0x79: {  	s31 =	sadd.s32 $0x80, s15  }
0x7a: {  	[tilespmem:s31+$0xFFFFFFC0] =	vst v7  }
0x7b: {  	[tilespmem:s31+$0xFFFFFFD0] =	vst v7  }
0x7c: {  	[tilespmem:s31+$0xFFFFFFE0] =	vst v7  }
0x7d: {  	[tilespmem:s31+$0xFFFFFFF0] =	vst v7  }
0x7e: {  	[tilespmem:s31+$0x0] =	vst v7  }
0x7f: {  	[tilespmem:s31+$0x10] =	vst v7  }
0x80: {  	[tilespmem:s31+$0x20] =	vst v7  }
0x81: {  	s15 =	simm.s32 @p0 $0x0;
	s16 =	simm.s32 @p0 $0xA880;
	[tilespmem:s31+$0x30] =	vst v7  }
0x82: {  	[hbm4b:s7+s15] =	stream.linear.scatter @p0 [tilespmem:s16], [sflag:$0x1], $0x14000, $0x38;
	[tilespmem:$0x1EB00] =	vst v63  }
0x83: {  	s15 =	simm.s32 @p0 $0x1  }
0x84: {  	_ =	swait.ge @p0 [sflag:s15], $0x14000  }
0x85: {  	[sflag:s15] =	ssyncset.done @p0 $0x0  }
0x86: {  	s16 =	simm.s32 @!p0 $0xA880;
	[sflag:s15] =	ssyncadd.s32 @p0 $0xFFFEC000;
	s15 =	simm.s32 @!p0 $0x0  }
0x87: {  	[hbm4b:s6+s15] =	stream.linear.scatter @!p0 [tilespmem:s16], [sflag:$0x1], $0x14000, $0x38;
	[tilespmem:$0x1EB00] =	vst v63  }
.Ltmp6:
0x88: {  	_ = 	snop;
	(pc) =	sbr.rel .LBB2_12-.Ltmp6, $4  }
0x89: {  	s15 =	simm.s32 @!p0 $0x1  }
0x8a: {  	_ =	swait.ge @!p0 [sflag:s15], $0x14000  }
0x8b: {  	[sflag:s15] =	ssyncset.done @!p0 $0x0  }
0x8c: {  	[sflag:s15] =	ssyncadd.s32 @!p0 $0xFFFEC000  }
.LBB2_6:
0x8d: {  	_ =	sdelay $0x3  }
0x8e: {  	v7 =	vld.idx.msk [tilespmem:v7+s11+$0x0], $0xffff;
	_ =	sdelay $0x4  }
0x8f: {  	[tilespmem:s15+$0xFFFFFFC0] =	vst v7  }
0x90: {  	s16 =	sadd.s32 $0x1, s16;
	[tilespmem:s15+$0xFFFFFFD0] =	vst v7  }
0x91: {  	s17 =	sadd.s32 s16, s3;
	s16 =	sadd.s32 $0x1, s16;
	[tilespmem:s15+$0xFFFFFFE0] =	vst v7  }
.LBB2_7:
0x92: {  	p3 =	seq.s32 s16, $0x26F;
	v8 =	vmov s17;
	[tilespmem:s15+$0xFFFFFFF0] =	vst v7  }
0x93: {  	[tilespmem:s15+$0x0] =	vst v7  }
0x94: {  	[tilespmem:s15+$0x10] =	vst v7  }
0x95: {  	[tilespmem:s15+$0x20] =	vst v7  }
0x96: {  	[tilespmem:s15+$0x30] =	vst v7  }
0x97: {  	v7 =	vld.idx.msk [tilespmem:v8+s11+$0x0], $0xffff;
	_ =	sdelay $0x3  }
.Ltmp7:
0x98: {  	(pc) =	sbr.rel @!p3 .LBB2_7-.Ltmp7, $4  }
0x99: {  	s15 =	sadd.s32 $0x80, s15  }
0x9a: {  	[tilespmem:s15+$0xFFFFFFC0] =	vst v7  }
0x9b: {  	[tilespmem:s15+$0xFFFFFFD0] =	vst v7  }
0x9c: {  	s17 =	sadd.s32 s16, s3;
	s16 =	sadd.s32 $0x1, s16;
	[tilespmem:s15+$0xFFFFFFE0] =	vst v7  }
.Ltmp8:
0x9d: {  	_ = 	snop;
	(pc) =	sbr.rel .LBB2_8-.Ltmp8, $1  }
0x9e: {  	_ =	sdelay $0x3  }
.LBB2_13:
0x9f: {  	_ =	sfence.sel $0x180000  }
0xa0: {  	[bflag:$0x0] =	sbarrier.arrive $0xFFFF  }
0xa1: {  	_ =	strace $0x90000047  }
0xa2: {  	s0 =	sadd.s32 @!p1 $0x100000, s0;
	[bflag:$0x2] =	sbarrier.arrive $0xFFFF  }
0xa3: {  	[sflag:s0] =	ssyncadd.tile.s32 @!p1 $0x1;
	_ =	shalt  }
.Lfunc_end2:
_tile_overlayer_lowered:
.L_overlay_start_2:
0xa4: {  	(tag) =	ssettag $0x2  }
0xa5: {  	s0 =	rddreg [dreg:$0x0];
	s2 =	stileid.u32  }
0xa6: {  	s1 =	rddreg [dreg:$0x1];
	p0 =	sne.s32 s2, $0x0  }
0xa7: {  	s3 =	rddreg [dreg:$0x2];
	[bflag:$0x3] =	sbarrier.arrive $0xFFFF;
	s2 =	simm.s32 @!p0 $0x1C01  }
0xa8: {  	[timem:s3], [sflag:s2] =	dma.local @!p0 [hbm:s0], s1  }
0xa9: {  	s0 =	simm.s32 @!p0 $0x1  }
0xaa: {  	_ =	swait.ge @!p0 [sflag:s0], s1  }
0xab: {  	s1 =	ssub.s32 @!p0 $0x0, s1;
	[sflag:s0] =	ssyncset.done @!p0 $0x0  }
0xac: {  	[sflag:s0] =	ssyncadd.s32 @!p0 s1  }
0xad: {  	[bflag:$0x3] =	sbarrier.arrive $0xFFFF  }
0xae: {  	_ =	shalt  }

// kernel: kernel.9.cloned.1.call-start
scs
__scs_entry_jumppad:
0x0: {  	(pc) =	sbr.rel $0x88, $3  }
0x1: {  	(tag) =	ssettag $0x0;
	lr =	simm.s32 $0x1  }
0x2: {  	[smem:$0x3F9D] =	sst lr;
	_ =	strace $0xD0000000  }
0x3: {  	_ = 	snop  }
0x4: {  	_ = 	snop  }
0x5: {  	_ = 	snop  }
0x6: {  	_ = 	snop  }
0x7: {  	_ = 	snop  }
__scs_overlays_trampoline_lowered:
0x8: {  	[smem:$0x3FAC] =	sst s0  }
0x9: {  	[smem:$0x3FAD] =	sst s1  }
0xa: {  	[smem:$0x3FAE] =	sst s2  }
0xb: {  	[smem:$0x3FAF] =	sst s3  }
0xc: {  	[smem:$0x3FB0] =	sst s4  }
0xd: {  	[smem:$0x3FB1] =	sst s5  }
0xe: {  	[smem:$0x3FB2] =	sst s6  }
0xf: {  	[smem:$0x3FB3] =	sst s7  }
0x10: {  	[smem:$0x3FB4] =	sst s8  }
0x11: {  	[smem:$0x3FB5] =	sst s9;
	s0 =	simm.s32 @!p0 $0x0  }
0x12: {  	s1 =	sld [smem:$0x3F9B];
	s0 =	simm.s32 @p0 $0x1  }
0x13: {  	[smem:$0x3FB6] =	sst s0;
	s0 =	simm.s32 @!p1 $0x0  }
0x14: {  	s2 =	sld [smem:$0x3F9A];
	s0 =	simm.s32 @p1 $0x1  }
0x15: {  	[smem:$0x3FB7] =	sst s0;
	s0 =	simm.s32 @!p2 $0x0  }
0x16: {  	s3 =	sld [smem:$0x3FDB];
	s0 =	simm.s32 @p2 $0x1  }
0x17: {  	s4 =	simm.s32 $0x1BF5;
	[smem:$0x3FB9] =	sst s0  }
0x18: {  	s0 =	sld [smem:$0x3F9C];
	_ =	swait.ge [sflag:s4], $0x0  }
0x19: {  	s7 =	sld [smem:$0x3F9D]  }
0x1a: {  	s8 =	sadd.s32 $0xFFFFE003, lr  }
0x1b: {  	s9 =	sadd.s32 $0xFFFFFEF7, lr;
	s5 =	simm.s32 $0xFFFFFFFF;
	p2 =	slt.u32 s8, $0xFFFFF086  }
0x1c: {  	p1 =	slt.u32 s9, $0xF7A;
	s5 =	simm.s32 @!p2 $0x0  }
0x1d: {  	s5 =	simm.s32 @p1 $0x1;
	p0 =	seq.s32 s7, s2  }
0x1e: {  	s7 =	smul.u32 @!p0 $0xF7A, s2;
	p2 =	seq.s32 @!p0 s5, $0x0  }
0x1f: {  	s9 =	smul.u32 $0xF7A, s1;
	s8 =	simm.s32 @!p0 $0x1BF5;
	p2 =	por !p2, p0  }
0x20: {  	[sflag:s8] =	ssyncset.s32 @!p0 $0xFFFFF086;
	s6 =	sadd.s32 @!p0 s3, s7;
	s7 =	simm.s32 @!p0 $0x108  }
0x21: {  	s3 =	sadd.s32 s3, s9;
	s6 =	sadd.s32 @!p0 $0x88, s6;
	s7 =	simm.s32 @p2 $0x1082  }
0x22: {  	[simem:s7], [sflag:s8] =	dma.local @!p0 [hbm:s6], $0xF7A  }
0x23: {  	s9 =	sor.u32 $0xD0000000, s2;
	s6 =	simm.s32 $0x108;
	_ =	swait.ge @!p0 [sflag:s8], $0x0  }
0x24: {  	s3 =	sadd.s32 $0x88, s3;
	s6 =	simm.s32 @!p1 $0x1082;
	[sflag:s4] =	ssyncset.s32 $0xFFFFF086  }
0x25: {  	[simem:s6], [sflag:s4] =	dma.local [hbm:s3], $0xF7A  }
0x26: {  	[smem:$0x3F9D] =	sst s1;
	(tag) =	ssettag s2;
	_ =	strace s9  }
0x27: {  	s1 =	sld [smem:$0x3FAD]  }
0x28: {  	s2 =	sld [smem:$0x3FAE]  }
0x29: {  	s4 =	sld [smem:$0x3FB0]  }
0x2a: {  	p0 =	seq.s32 s5, $0x0;
	s5 =	sld [smem:$0x3FB1]  }
0x2b: {  	s6 =	sld [smem:$0x3FB2]  }
0x2c: {  	s7 =	sld [smem:$0x3FB3]  }
0x2d: {  	s3 =	simm.s32 $0x108;
	s8 =	sld [smem:$0x3FB4]  }
0x2e: {  	s3 =	simm.s32 @!p0 $0x1082;
	s9 =	sld [smem:$0x3FB5]  }
0x2f: {  	lr =	sadd.s32 s0, s3;
	s0 =	sld [smem:$0x3FAC]  }
0x30: {  	s3 =	sld [smem:$0x3FAF]  }
0x31: {  	[smem:$0x3FB8] =	sst s10  }
0x32: {  	s10 =	sld [smem:$0x3FB6];
	_ =	sdelay $0x3  }
0x33: {  	p0 =	seq.s32 s10, $0x1;
	s10 =	sld [smem:$0x3FB8];
	_ =	sdelay $0x3  }
0x34: {  	[smem:$0x3FB8] =	sst s10  }
0x35: {  	s10 =	sld [smem:$0x3FB7];
	_ =	sdelay $0x3  }
0x36: {  	p1 =	seq.s32 s10, $0x1;
	s10 =	sld [smem:$0x3FB8];
	_ =	sdelay $0x3  }
0x37: {  	[smem:$0x3FB8] =	sst s10  }
0x38: {  	s10 =	sld [smem:$0x3FB9]  }
0x39: {  	_ = 	snop;
	(pc) =	sbr.ind lr, $3  }
0x3a: {  	_ = 	snop  }
0x3b: {  	_ = 	snop  }
0x3c: {  	p2 =	seq.s32 s10, $0x1;
	s10 =	sld [smem:$0x3FB8]  }
0x3d: {  	_ =	shalt  }
0x3e: {  	_ =	shalt  }
0x3f: {  	_ =	shalt  }
0x40: {  	_ =	shalt  }
0x41: {  	_ =	shalt  }
0x42: {  	_ =	shalt  }
0x43: {  	_ =	shalt  }
0x44: {  	_ =	shalt  }
0x45: {  	_ =	shalt  }
0x46: {  	_ =	shalt  }
0x47: {  	_ =	shalt  }
0x48: {  	_ =	shalt  }
0x49: {  	_ =	shalt  }
0x4a: {  	_ =	shalt  }
0x4b: {  	_ =	shalt  }
0x4c: {  	_ =	shalt  }
0x4d: {  	_ =	shalt  }
0x4e: {  	_ =	shalt  }
0x4f: {  	_ =	shalt  }
0x50: {  	_ =	shalt  }
0x51: {  	_ =	shalt  }
0x52: {  	_ =	shalt  }
0x53: {  	_ =	shalt  }
0x54: {  	_ =	shalt  }
0x55: {  	_ =	shalt  }
0x56: {  	_ =	shalt  }
0x57: {  	_ =	shalt  }
0x58: {  	_ =	shalt  }
0x59: {  	_ =	shalt  }
0x5a: {  	_ =	shalt  }
0x5b: {  	_ =	shalt  }
0x5c: {  	_ =	shalt  }
0x5d: {  	_ =	shalt  }
0x5e: {  	_ =	shalt  }
0x5f: {  	_ =	shalt  }
0x60: {  	_ =	shalt  }
0x61: {  	_ =	shalt  }
0x62: {  	_ =	shalt  }
0x63: {  	_ =	shalt  }
0x64: {  	_ =	shalt  }
0x65: {  	_ =	shalt  }
0x66: {  	_ =	shalt  }
0x67: {  	_ =	shalt  }
0x68: {  	_ =	shalt  }
0x69: {  	_ =	shalt  }
0x6a: {  	_ =	shalt  }
0x6b: {  	_ =	shalt  }
0x6c: {  	_ =	shalt  }
0x6d: {  	_ =	shalt  }
0x6e: {  	_ =	shalt  }
0x6f: {  	_ =	shalt  }
0x70: {  	_ =	shalt  }
0x71: {  	_ =	shalt  }
0x72: {  	_ =	shalt  }
0x73: {  	_ =	shalt  }
0x74: {  	_ =	shalt  }
0x75: {  	_ =	shalt  }
0x76: {  	_ =	shalt  }
0x77: {  	_ =	shalt  }
0x78: {  	_ =	shalt  }
0x79: {  	_ =	shalt  }
0x7a: {  	_ =	shalt  }
0x7b: {  	_ =	shalt  }
0x7c: {  	_ =	shalt  }
0x7d: {  	_ =	shalt  }
0x7e: {  	_ =	shalt  }
0x7f: {  	_ =	shalt  }
0x80: {  	_ =	shalt  }
0x81: {  	_ =	shalt  }
0x82: {  	_ =	shalt  }
0x83: {  	_ =	shalt  }
0x84: {  	_ =	shalt  }
0x85: {  	_ =	shalt  }
0x86: {  	_ =	shalt  }
0x87: {  	_ =	shalt  }
.Lfunc_end0:
.L_simem_size_0:
called_computation.1_lowered:
.L_overlay_start_0:
0x88: {  	s2 =	sld [smem:$0x3FD9]  }
0x89: {  	s3 =	sld [smem:$0x3FFE];
	_ =	sdelay $0x1  }
0x8a: {  	s1 =	srdreg.scid  }
0x8b: {  	s0 =	sand.u32 $0x1, s1  }
0x8c: {  	s17 =	sshll.u32 s0, $0xA;
	s2 =	sadd.s32 s3, s2  }
0x8d: {  	s2 =	sadd.s32 s2, s17  }
0x8e: {  	[smem:$0x3FC4] =	sst s2  }
0x8f: {  	_ = 	snop  }
0x90: {  	s2 =	sld [smem:$0x3FD0];
	(tm) =	ssettm $0x1  }
0x91: {  	s18 =	sld [smem:$0x3FFB];
	_ =	sdelay $0x3  }
0x92: {  	_ =	strace s18  }
0x93: {  	s3 =	sld [smem:$0x3FFC];
	_ =	sdelay $0x3  }
0x94: {  	_ =	strace s3  }
0x95: {  	s3 =	sld [smem:$0x3FFD];
	_ =	sdelay $0x3  }
0x96: {  	_ =	strace s3  }
0x97: {  	_ =	strace $0x8FFFFFFF  }
0x98: {  	s19 =	sld [smem:$0x3FDB];
	_ =	sdelay $0x1  }
0x99: {  	s4 =	simm.s32 $_scs_section_size  }
0x9a: {  	s5 =	simm.s32 $_size__tile_overlayer_lowered;
	s6 =	simm.s32 $_tile_overlayer_lowered  }
0x9b: {  	s22 =	simm.s32 $0x1BFF;
	s21 =	sshll.u32 s6, $0x1;
	s3 =	sadd.s32 s4, s19  }
0x9c: {  	s7 =	simm.s32 $0x0;
	s20 =	sshll.u32 s5, $0x1;
	s5 =	sadd.s32 s21, s3  }
0x9d: {  	[timem:s7], [sflag:s22] =	dma.local [hbm:s5], s20  }
0x9e: {  	_ =	swait.ge [sflag:s22], s20  }
0x9f: {  	s4 =	ssub.s32 $0x0, s20;
	[sflag:s22] =	ssyncset.done $0x0  }
0xa0: {  	[sflag:s22] =	ssyncadd.s32 s4;
	_ =	sdelay $0x1  }
0xa1: {  	s23 =	simm.s32 $0x1B8B  }
0xa2: {  	_ =	swait.ge [sflag:s23], $0x1  }
0xa3: {  	[sflag:s23] =	ssyncset.done $0x0  }
0xa4: {  	s25 =	simm.s32 $0x1B8E;
	s24 =	sld [smem:$0x3FFE];
	[sflag:s23] =	ssyncadd.s32 $0xFFFFFFFF  }
0xa5: {  	s26 =	simm.s32 $execute0_lowered;
	[smem:$0x3FD2] =	sst s25  }
0xa6: {  	s5 =	sshll.u32 s26, $0x1;
	_ =	strace $0x80000049;
	[dreg:$0x1] =	wrdreg $0xFFFFFFFF  }
0xa7: {  	s28 =	simm.s32 $_size_execute0_lowered;
	s3 =	sadd.s32 s3, s5;
	[dreg:$0x0] =	wrdreg $0x0  }
0xa8: {  	s5 =	sshll.u32 s28, $0x1;
	[dreg:$0x2] =	wrdreg s3  }
0xa9: {  	[dreg:$0x3] =	wrdreg s5  }
0xaa: {  	[dreg:$0x4] =	wrdreg $0xC0  }
0xab: {  	_ =	task [dreg:s7], $0x5FFFF  }
0xac: {  	[dreg:$0x1] =	wrdreg $0xFFFFFFFF  }
0xad: {  	[dreg:$0x0] =	wrdreg $0x60  }
0xae: {  	[dreg:$0x2] =	wrdreg s2  }
0xaf: {  	[dreg:$0x3] =	wrdreg s24  }
0xb0: {  	[dreg:$0x4] =	wrdreg $0xA0000  }
0xb1: {  	[dreg:$0x5] =	wrdreg $0x9  }
0xb2: {  	_ =	task.clear_ibuf [dreg:s7], $0x6FFFF;
	_ =	strace $0x90000049  }
0xb3: {  	s29 =	simm.s32 $0x9;
	_ =	strace $0x8000004B  }
0xb4: {  	_ =	swait.ge [sflag:s29], $0x1  }
0xb5: {  	[sflag:s29] =	ssyncadd.s32 $0xFFFFFFFF  }
0xb6: {  	_ =	strace $0x9000004B  }
0xb7: {  	_ =	sfence  }
0xb8: {  	s30 =	sld [smem:$0x0];
	_ =	sdelay $0x2  }
0xb9: {  	s31 =	sshll.u32 s1, $0xD;
	s1 =	sshrl.u32 s1, $0x2  }
0xba: {  	s3 =	sand.u32 $0x4000, s31;
	s1 =	sadd.s32 s1, s30  }
0xbb: {  	s0 =	sor.u32 s3, s0;
	s1 =	sshll.u32 s1, $0x11  }
0xbc: {  	s0 =	sor.u32 s1, s0  }
0xbd: {  	s0 =	sadd.s32 $0x8F2B, s0  }
0xbe: {  	[sflag:s0] =	ssyncadd.remote.s32 $0x1  }
0xbf: {  	_ =	sfence.sel $0xFFFF  }
0xc0: {  	[dreg:$0x0] =	wrdreg $0xFFFFFFFF;
	(pc) =	sbr.abs _section_cstart, $3  }
0xc1: {  	[dreg:$0x1] =	wrdreg $0xFFFFFFFF  }
0xc2: {  	_ =	task.clear_ibuf [dreg:s7], $0x2FFFF;
	_ =	strace $0x9FFFFFFF  }
0xc3: {  	(tm) =	ssettm $0x7FFFFFFF  }
tec
execute0_lowered:
.L_overlay_start_1:
0x0: {  	(tag) =	ssettag $0x1  }
0x1: {  	s1 =	rddreg [dreg:$0x0]  }
0x2: {  	s2 =	rddreg [dreg:$0x1]  }
0x3: {  	s3 =	rddreg [dreg:$0x2];
	s8 =	simm.s32 $0x0  }
0x4: {  	s17 =	simm.s32 $0x100;
	[smem:$0x7FF] =	sst s8  }
0x5: {  	s18 =	simm.s32 $0x1080;
	_ =	strace $0x8000004A;
	[dreg:$0x6] =	wrdreg s17  }
0x6: {  	s19 =	simm.s32 $0x180;
	[dreg:$0x7] =	wrdreg s18  }
0x7: {  	s20 =	simm.s32 $0x1100;
	[dreg:$0x8] =	wrdreg s19  }
0x8: {  	s21 =	simm.s32 $0x200;
	[dreg:$0x9] =	wrdreg s20  }
0x9: {  	s22 =	simm.s32 $0x1180;
	[dreg:$0xa] =	wrdreg s21  }
0xa: {  	s24 =	simm.s32 $0x280;
	[dreg:$0xb] =	wrdreg s22  }
0xb: {  	s26 =	simm.s32 $0x1200;
	[dreg:$0xc] =	wrdreg s24  }
0xc: {  	s10 =	simm.s32 $0x300;
	[dreg:$0xd] =	wrdreg s26  }
0xd: {  	s12 =	simm.s32 $0x1280;
	[dreg:$0xe] =	wrdreg s10  }
0xe: {  	s13 =	simm.s32 $0x380;
	[dreg:$0xf] =	wrdreg s12  }
0xf: {  	s0 =	srdreg.scid;
	s14 =	simm.s32 $0x1300;
	[dreg:$0x10] =	wrdreg s13  }
0x10: {  	s4 =	stileid.u32;
	s15 =	simm.s32 $0x400;
	[dreg:$0x11] =	wrdreg s14  }
0x11: {  	s16 =	simm.s32 $0x480;
	s0 =	sand.u32 $0x1, s0;
	[dreg:$0x12] =	wrdreg s15  }
0x12: {  	s7 =	sadd.s32 $0x49200, s2;
	s12 =	simm.s32 $0x1380;
	[dreg:$0x14] =	wrdreg s16  }
0x13: {  	s6 =	smul.u32 $0xA00, s4;
	s18 =	simm.s32 $0x1400;
	[dreg:$0x13] =	wrdreg s12  }
0x14: {  	s8 =	sadd.s32 $0x5D200, s2;
	s19 =	simm.s32 $0x500;
	[dreg:$0x15] =	wrdreg s18  }
0x15: {  	s2 =	sadd.s32 $0x71200, s2;
	s20 =	simm.s32 $0x1480;
	[dreg:$0x16] =	wrdreg s19  }
0x16: {  	s5 =	smul.u32 $0xA000, s0;
	s13 =	simm.s32 $0x1600;
	[dreg:$0x17] =	wrdreg s20  }
0x17: {  	s23 =	ssub.s32 $0x2, s0;
	s14 =	simm.s32 $0x700;
	[dreg:$0x1d] =	wrdreg s13  }
0x18: {  	s11 =	sshll.u32 s0, $0x4;
	s15 =	simm.s32 $0x1680;
	[dreg:$0x1e] =	wrdreg s14  }
0x19: {  	s10 =	smul.u32 $0x4E000, s4;
	s22 =	sadd.s32 $0x138000, s3;
	[dreg:$0x1f] =	wrdreg s15  }
0x1a: {  	s21 =	smul.u32 $0x27100, s0;
	s12 =	simm.s32 $0x680;
	[smem:$0x7FD] =	sst s22  }
0x1b: {  	s0 =	smul.u32 $0x138800, s0;
	s19 =	simm.s32 $0x1700;
	[dreg:$0x1c] =	wrdreg s12  }
0x1c: {  	s25 =	sshrl.u32 s23, $0x1;
	s13 =	simm.s32 $0x980;
	[smem:$0x7CD] =	sst s19  }
0x1d: {  	s15 =	simm.s32 $0x1900;
	s9 =	sadd.s32 s5, s7;
	[smem:$0x7DB] =	sst s13  }
0x1e: {  	s5 =	sadd.s32 s5, s8;
	[smem:$0x7DD] =	sst s15;
	s19 =	simm.s32 $0x1980  }
0x1f: {  	s10 =	sshrl.u32 s10, $0x2;
	s9 =	sadd.s32 s6, s9;
	[smem:$0x7E1] =	sst s19  }
0x20: {  	s0 =	sshrl.u32 s0, $0x3;
	s5 =	sadd.s32 s6, s5;
	[dreg:$0x4] =	wrdreg s9  }
0x21: {  	[dreg:$0x5] =	wrdreg s5;
	s9 =	ssub.s32 s23, s25;
	s23 =	simm.s32 $0x580  }
0x22: {  	s0 =	sadd.s32 s2, s0;
	s25 =	simm.s32 $0x1500;
	[dreg:$0x18] =	wrdreg s23  }
0x23: {  	s5 =	sadd.s32 s10, s3;
	s10 =	simm.s32 $0x1580;
	[dreg:$0x19] =	wrdreg s25  }
0x24: {  	s0 =	sadd.s32 $0x27000, s0;
	[dreg:$0x1b] =	wrdreg s10  }
0x25: {  	[smem:$0x7C8] =	sst s0;
	s16 =	smax.u32 s9, $0x1  }
0x26: {  	s6 =	sor.u32 s4, s11;
	s18 =	sadd.s32 $0x800, s5;
	[smem:$0x7C9] =	sst s16  }
0x27: {  	s11 =	smul.u32 $0x2700, s4;
	s20 =	sadd.s32 $0x1000, s5;
	[smem:$0x7CA] =	sst s18  }
0x28: {  	s23 =	sadd.s32 $0x1800, s5;
	[smem:$0x7CC] =	sst s20  }
0x29: {  	s26 =	sadd.s32 s11, s21;
	s21 =	simm.s32 $0x800;
	[smem:$0x7CE] =	sst s23  }
0x2a: {  	s25 =	sadd.s32 $0x2000, s5;
	[smem:$0x7CF] =	sst s21  }
0x2b: {  	s10 =	sadd.s32 $0x3800, s5;
	[smem:$0x7D0] =	sst s25  }
0x2c: {  	s9 =	simm.s32 $0x900;
	[smem:$0x7D6] =	sst s10  }
0x2d: {  	s12 =	sadd.s32 $0x4000, s5;
	[smem:$0x7D7] =	sst s9  }
0x2e: {  	s14 =	sadd.s32 $0x4800, s5;
	[smem:$0x7D8] =	sst s12  }
0x2f: {  	p0 =	sne.s32 s4, $0xF;
	s4 =	sadd.s32 $0x9000, s5;
	[smem:$0x7DA] =	sst s14  }
0x30: {  	s13 =	sadd.s32 $0xD000, s5;
	[smem:$0x7E8] =	sst s4  }
0x31: {  	s17 =	smul.u32 $0xA00, s6;
	s15 =	sadd.s32 $0xE000, s5;
	[smem:$0x7F0] =	sst s13  }
0x32: {  	s19 =	sadd.s32 $0x10000, s5;
	[smem:$0x7F2] =	sst s15  }
0x33: {  	s6 =	sadd.s32 s8, s17;
	[smem:$0x7F6] =	sst s19  }
0x34: {  	s24 =	sadd.s32 s7, s17;
	[smem:$0x7C5] =	sst s6  }
0x35: {  	s11 =	sadd.s32 s2, s26;
	[smem:$0x7C6] =	sst s24  }
0x36: {  	s17 =	simm.s32 $0x780;
	[smem:$0x7C7] =	sst s11  }
0x37: {  	s26 =	simm.s32 $0x880;
	[smem:$0x7CB] =	sst s17  }
0x38: {  	s8 =	sadd.s32 $0x3000, s5;
	[smem:$0x7D3] =	sst s26  }
0x39: {  	s7 =	simm.s32 $0x1800;
	[smem:$0x7D4] =	sst s8  }
0x3a: {  	s16 =	sadd.s32 $0x5000, s5;
	[smem:$0x7D5] =	sst s7  }
0x3b: {  	s18 =	sadd.s32 $0x5800, s5;
	[smem:$0x7DC] =	sst s16  }
0x3c: {  	s20 =	sadd.s32 $0x6000, s5;
	[smem:$0x7DE] =	sst s18  }
0x3d: {  	s23 =	sadd.s32 $0x6800, s5;
	[smem:$0x7E0] =	sst s20  }
0x3e: {  	s21 =	simm.s32 $0xA80;
	[smem:$0x7E2] =	sst s23  }
0x3f: {  	s25 =	sadd.s32 $0x7800, s5;
	[smem:$0x7E3] =	sst s21  }
0x40: {  	s2 =	sadd.s32 $0x8800, s5;
	[smem:$0x7E5] =	sst s25  }
0x41: {  	s9 =	sadd.s32 $0xB000, s5;
	[smem:$0x7E7] =	sst s2  }
0x42: {  	s10 =	sadd.s32 $0xB800, s5;
	[smem:$0x7EC] =	sst s9  }
0x43: {  	s12 =	sadd.s32 $0xC800, s5;
	[smem:$0x7ED] =	sst s10  }
0x44: {  	s14 =	sadd.s32 $0xD800, s5;
	[smem:$0x7EF] =	sst s12  }
0x45: {  	s28 =	simm.s32 $0x50;
	s6 =	simm.s32 $0x600;
	[smem:$0x7F1] =	sst s14  }
0x46: {  	s29 =	simm.s32 $0x2000;
	s24 =	simm.s32 $0x1780;
	[dreg:$0x1a] =	wrdreg s6  }
0x47: {  	s30 =	simm.s32 $0x4800;
	s11 =	simm.s32 $0x1880;
	[smem:$0x7D1] =	sst s24  }
0x48: {  	s31 =	simm.s32 $0x6;
	s17 =	simm.s32 $0xA00;
	[smem:$0x7D9] =	sst s11  }
0x49: {  	s0 =	simm.s32 $0x1;
	s26 =	sadd.s32 $0x8000, s5;
	[smem:$0x7DF] =	sst s17  }
0x4a: {  	s13 =	simm.s32 $0x1A80;
	s7 =	sadd.s32 $0xA000, s5;
	[smem:$0x7E6] =	sst s26  }
0x4b: {  	s15 =	simm.s32 $0x1B00;
	s8 =	sadd.s32 $0xA800, s5;
	[smem:$0x7EA] =	sst s7  }
0x4c: {  	s19 =	simm.s32 $0x0;
	s16 =	sadd.s32 $0xE800, s5;
	[smem:$0x7EB] =	sst s8  }
0x4d: {  	s18 =	sadd.s32 $0xF800, s5;
	s20 =	sadd.s32 $0x10800, s5;
	[smem:$0x7F3] =	sst s16  }
0x4e: {  	s21 =	sadd.s32 $0x11000, s5;
	s23 =	sadd.s32 $0x11800, s5;
	[smem:$0x7F5] =	sst s18  }
0x4f: {  	s25 =	sadd.s32 $0x12800, s5;
	s2 =	simm.s32 $0x7000;
	[smem:$0x7F7] =	sst s20  }
0x50: {  	s9 =	simm.s32 $0x3;
	s10 =	simm.s32 $0x5;
	[smem:$0x7F8] =	sst s21  }
0x51: {  	s12 =	simm.s32 $0xB00;
	s14 =	simm.s32 $0xB80;
	[smem:$0x7F9] =	sst s23  }
0x52: {  	s6 =	sadd.s32 $0x2800, s5;
	s24 =	sadd.s32 $0x7000, s5;
	[smem:$0x7FB] =	sst s25  }
0x53: {  	s11 =	sadd.s32 $0xC000, s5;
	s17 =	sadd.s32 $0xF000, s5;
	[smem:$0x7D2] =	sst s6  }
0x54: {  	s26 =	sadd.s32 $0x13000, s5;
	s25 =	simm.s32 $0x7;
	[smem:$0x7E4] =	sst s24  }
0x55: {  	s7 =	simm.s32 $0x2;
	s8 =	simm.s32 $0x4;
	[smem:$0x7EE] =	sst s11  }
0x56: {  	s16 =	simm.s32 $0xC00;
	s18 =	simm.s32 $0x1C00;
	[smem:$0x7F4] =	sst s17  }
0x57: {  	s6 =	sadd.s32 $0x9800, s5;
	s24 =	sadd.s32 $0x12000, s5;
	[smem:$0x7FC] =	sst s26  }
0x58: {  	s26 =	simm.s32 $0x1000;
	s11 =	simm.s32 $0x1A00;
	[smem:$0x7E9] =	sst s6  }
0x59: {  	v0 =	vimm.f32 $0.0e+00;
	s17 =	simm.s32 $0x1B80;
	[smem:$0x7FA] =	sst s24;
	s24 =	simm.s32 $0x9800  }
.LBB2_1:
0x5a: {  	s20 =	simm.s32 $0x0;
	s21 =	simm.s32 $0x200  }
.LBB2_2:
0x5b: {  	p1 =	sne.s32 s21, $0x1E00;
	[tilespmem:s20+$0x9870] =	vst v0  }
0x5c: {  	[tilespmem:s20+$0x9800] =	vst v0  }
0x5d: {  	[tilespmem:s20+$0x9810] =	vst v0  }
.Ltmp0:
0x5e: {  	[tilespmem:s20+$0x9820] =	vst v0;
	(pc) =	sbr.rel @p1 .LBB2_2-.Ltmp0, $4  }
0x5f: {  	[tilespmem:s20+$0x9830] =	vst v0  }
0x60: {  	[tilespmem:s20+$0x9840] =	vst v0  }
0x61: {  	[tilespmem:s20+$0x9850] =	vst v0  }
0x62: {  	[tilespmem:s20+$0x9860] =	vst v0;
	s20 =	sshra.s32 s21, $0x2;
	s21 =	sadd.s32 $0x200, s21  }
0x63: {  	[tilespmem:s20+$0x9870] =	vst v0  }
0x64: {  	[tilespmem:s20+$0x9800] =	vst v0  }
0x65: {  	[tilespmem:s20+$0x9810] =	vst v0  }
0x66: {  	[tilespmem:s20+$0x9820] =	vst v0  }
0x67: {  	[tilespmem:s20+$0x9830] =	vst v0  }
0x68: {  	[tilespmem:s20+$0x9840] =	vst v0  }
0x69: {  	[tilespmem:s20+$0x9850] =	vst v0  }
0x6a: {  	[tilespmem:s20+$0x9860] =	vst v0;
	s4 =	sld [smem:$0x7CA]  }
0x6b: {  	[spmem:s5] =	stream.linear.scatter [tilespmem:s24], [sflag:$0x6], $0x800, $0x38;
	[tilespmem:$0x1D880] =	vst v63  }
0x6c: {  	s20 =	sld [smem:$0x7CC]  }
0x6d: {  	[spmem:s4] =	stream.linear.scatter [tilespmem:s24], [sflag:$0x6], $0x800, $0x38;
	[tilespmem:$0x1D880] =	vst v63  }
0x6e: {  	s21 =	sld [smem:$0x7CE]  }
0x6f: {  	[spmem:s20] =	stream.linear.scatter [tilespmem:s24], [sflag:$0x6], $0x800, $0x38;
	[tilespmem:$0x1D880] =	vst v63  }
0x70: {  	s23 =	sld [smem:$0x7D0]  }
0x71: {  	[spmem:s21] =	stream.linear.scatter [tilespmem:s24], [sflag:$0x6], $0x800, $0x38;
	[tilespmem:$0x1D880] =	vst v63  }
0x72: {  	s6 =	sld [smem:$0x7D2]  }
0x73: {  	[spmem:s23] =	stream.linear.scatter [tilespmem:s24], [sflag:$0x6], $0x800, $0x38;
	[tilespmem:$0x1D880] =	vst v63  }
0x74: {  	s20 =	sld [smem:$0x7D4]  }
0x75: {  	[spmem:s6] =	stream.linear.scatter [tilespmem:s24], [sflag:$0x6], $0x800, $0x38;
	[tilespmem:$0x1D880] =	vst v63  }
0x76: {  	s21 =	sld [smem:$0x7D6]  }
0x77: {  	[spmem:s20] =	stream.linear.scatter [tilespmem:s24], [sflag:$0x6], $0x800, $0x38;
	[tilespmem:$0x1D880] =	vst v63  }
0x78: {  	s23 =	sld [smem:$0x7D8]  }
0x79: {  	[spmem:s21] =	stream.linear.scatter [tilespmem:s24], [sflag:$0x6], $0x800, $0x38;
	[tilespmem:$0x1D880] =	vst v63  }
0x7a: {  	s6 =	sld [smem:$0x7DA]  }
0x7b: {  	[spmem:s23] =	stream.linear.scatter [tilespmem:s24], [sflag:$0x6], $0x800, $0x38;
	[tilespmem:$0x1D880] =	vst v63  }
0x7c: {  	s20 =	sld [smem:$0x7DC]  }
0x7d: {  	[spmem:s6] =	stream.linear.scatter [tilespmem:s24], [sflag:$0x6], $0x800, $0x38;
	[tilespmem:$0x1D880] =	vst v63  }
0x7e: {  	s21 =	sld [smem:$0x7DE]  }
0x7f: {  	[spmem:s20] =	stream.linear.scatter [tilespmem:s24], [sflag:$0x6], $0x800, $0x38;
	[tilespmem:$0x1D880] =	vst v63  }
0x80: {  	s23 =	sld [smem:$0x7E0]  }
0x81: {  	[spmem:s21] =	stream.linear.scatter [tilespmem:s24], [sflag:$0x6], $0x800, $0x38;
	[tilespmem:$0x1D880] =	vst v63  }
0x82: {  	s6 =	sld [smem:$0x7E2]  }
0x83: {  	[spmem:s23] =	stream.linear.scatter [tilespmem:s24], [sflag:$0x6], $0x800, $0x38;
	[tilespmem:$0x1D880] =	vst v63  }
0x84: {  	s20 =	sld [smem:$0x7E4]  }
0x85: {  	[spmem:s6] =	stream.linear.scatter [tilespmem:s24], [sflag:$0x6], $0x800, $0x38;
	[tilespmem:$0x1D880] =	vst v63  }
0x86: {  	s21 =	sld [smem:$0x7E5]  }
0x87: {  	[spmem:s20] =	stream.linear.scatter [tilespmem:s24], [sflag:$0x6], $0x800, $0x38;
	[tilespmem:$0x1D880] =	vst v63  }
0x88: {  	s23 =	sld [smem:$0x7E6]  }
0x89: {  	[spmem:s21] =	stream.linear.scatter [tilespmem:s24], [sflag:$0x6], $0x800, $0x38;
	[tilespmem:$0x1D880] =	vst v63  }
0x8a: {  	s6 =	sld [smem:$0x7E7]  }
0x8b: {  	[spmem:s23] =	stream.linear.scatter [tilespmem:s24], [sflag:$0x6], $0x800, $0x38;
	[tilespmem:$0x1D880] =	vst v63  }
0x8c: {  	s20 =	sld [smem:$0x7E8]  }
0x8d: {  	[spmem:s6] =	stream.linear.scatter [tilespmem:s24], [sflag:$0x6], $0x800, $0x38;
	[tilespmem:$0x1D880] =	vst v63  }
0x8e: {  	s21 =	sld [smem:$0x7E9]  }
0x8f: {  	[spmem:s20] =	stream.linear.scatter [tilespmem:s24], [sflag:$0x6], $0x800, $0x38;
	[tilespmem:$0x1D880] =	vst v63  }
0x90: {  	s23 =	sld [smem:$0x7EA]  }
0x91: {  	[spmem:s21] =	stream.linear.scatter [tilespmem:s24], [sflag:$0x6], $0x800, $0x38;
	[tilespmem:$0x1D880] =	vst v63  }
0x92: {  	s6 =	sld [smem:$0x7EB]  }
0x93: {  	[spmem:s23] =	stream.linear.scatter [tilespmem:s24], [sflag:$0x6], $0x800, $0x38;
	[tilespmem:$0x1D880] =	vst v63  }
0x94: {  	s20 =	sld [smem:$0x7EC]  }
0x95: {  	[spmem:s6] =	stream.linear.scatter [tilespmem:s24], [sflag:$0x6], $0x800, $0x38;
	[tilespmem:$0x1D880] =	vst v63  }
0x96: {  	s21 =	sld [smem:$0x7ED]  }
0x97: {  	[spmem:s20] =	stream.linear.scatter [tilespmem:s24], [sflag:$0x6], $0x800, $0x38;
	[tilespmem:$0x1D880] =	vst v63  }
0x98: {  	s23 =	sld [smem:$0x7EE]  }
0x99: {  	[spmem:s21] =	stream.linear.scatter [tilespmem:s24], [sflag:$0x6], $0x800, $0x38;
	[tilespmem:$0x1D880] =	vst v63  }
0x9a: {  	s6 =	sld [smem:$0x7EF]  }
0x9b: {  	[spmem:s23] =	stream.linear.scatter [tilespmem:s24], [sflag:$0x6], $0x800, $0x38;
	[tilespmem:$0x1D880] =	vst v63  }
0x9c: {  	s20 =	sld [smem:$0x7F0]  }
0x9d: {  	[spmem:s6] =	stream.linear.scatter [tilespmem:s24], [sflag:$0x6], $0x800, $0x38;
	[tilespmem:$0x1D880] =	vst v63  }
0x9e: {  	s21 =	sld [smem:$0x7F1]  }
0x9f: {  	[spmem:s20] =	stream.linear.scatter [tilespmem:s24], [sflag:$0x6], $0x800, $0x38;
	[tilespmem:$0x1D880] =	vst v63  }
0xa0: {  	s23 =	sld [smem:$0x7F2]  }
0xa1: {  	[spmem:s21] =	stream.linear.scatter [tilespmem:s24], [sflag:$0x6], $0x800, $0x38;
	[tilespmem:$0x1D880] =	vst v63  }
0xa2: {  	s6 =	sld [smem:$0x7F3]  }
0xa3: {  	[spmem:s23] =	stream.linear.scatter [tilespmem:s24], [sflag:$0x6], $0x800, $0x38;
	[tilespmem:$0x1D880] =	vst v63  }
0xa4: {  	s20 =	sld [smem:$0x7F4]  }
0xa5: {  	[spmem:s6] =	stream.linear.scatter [tilespmem:s24], [sflag:$0x6], $0x800, $0x38;
	[tilespmem:$0x1D880] =	vst v63  }
0xa6: {  	s21 =	sld [smem:$0x7F5]  }
0xa7: {  	[spmem:s20] =	stream.linear.scatter [tilespmem:s24], [sflag:$0x6], $0x800, $0x38;
	[tilespmem:$0x1D880] =	vst v63  }
0xa8: {  	s23 =	sld [smem:$0x7F6]  }
0xa9: {  	[spmem:s21] =	stream.linear.scatter [tilespmem:s24], [sflag:$0x6], $0x800, $0x38;
	[tilespmem:$0x1D880] =	vst v63  }
0xaa: {  	s6 =	sld [smem:$0x7F7]  }
0xab: {  	[spmem:s23] =	stream.linear.scatter [tilespmem:s24], [sflag:$0x6], $0x800, $0x38;
	[tilespmem:$0x1D880] =	vst v63  }
0xac: {  	s20 =	sld [smem:$0x7F8]  }
0xad: {  	[spmem:s6] =	stream.linear.scatter [tilespmem:s24], [sflag:$0x6], $0x800, $0x38;
	[tilespmem:$0x1D880] =	vst v63  }
0xae: {  	s21 =	sld [smem:$0x7F9]  }
0xaf: {  	[spmem:s20] =	stream.linear.scatter [tilespmem:s24], [sflag:$0x6], $0x800, $0x38;
	[tilespmem:$0x1D880] =	vst v63  }
0xb0: {  	s23 =	sld [smem:$0x7FA]  }
0xb1: {  	[spmem:s21] =	stream.linear.scatter [tilespmem:s24], [sflag:$0x6], $0x800, $0x38;
	[tilespmem:$0x1D880] =	vst v63  }
0xb2: {  	s6 =	sld [smem:$0x7FB]  }
0xb3: {  	[spmem:s23] =	stream.linear.scatter [tilespmem:s24], [sflag:$0x6], $0x800, $0x38;
	[tilespmem:$0x1D880] =	vst v63  }
0xb4: {  	s20 =	sld [smem:$0x7FC]  }
0xb5: {  	[spmem:s6] =	stream.linear.scatter [tilespmem:s24], [sflag:$0x6], $0x800, $0x38;
	[tilespmem:$0x1D880] =	vst v63  }
0xb6: {  	_ = 	snop  }
0xb7: {  	[spmem:s20] =	stream.linear.scatter [tilespmem:s24], [sflag:$0x6], $0x800, $0x38;
	[tilespmem:$0x1D880] =	vst v63  }
0xb8: {  	s6 =	sld [smem:$0x7C5];
	s20 =	simm.s32 @!p0 $0x9800  }
0xb9: {  	[spmem:s22] =	stream.linear.scatter @!p0 [tilespmem:s20], [sflag:$0x6], $0x800, $0x38;
	[tilespmem:$0x1D880] =	vst v63  }
0xba: {  	s21 =	simm.s32 $0x0  }
0xbb: {  	[tilespmem:s21], [sflag:$0x7] =	stream.linear.gather [hbm4b:s6+s21], $0xC80, $0x38;
	[tilespmem:$0x1D880] =	vst v63  }
0xbc: {  	_ =	swait.ge [sflag:s25], $0xC80  }
0xbd: {  	s22 =	sld [smem:$0x7C6]  }
0xbe: {  	[sflag:s25] =	ssyncset.done $0x0  }
0xbf: {  	[sflag:s25] =	ssyncadd.s32 $0xFFFFF380  }
0xc0: {  	[tilespmem:s26], [sflag:$0x7] =	stream.linear.gather [hbm4b:s22+s21], $0xC80, $0x38;
	[tilespmem:$0x1D880] =	vst v63  }
0xc1: {  	_ =	swait.ge [sflag:s25], $0xC80  }
0xc2: {  	[sflag:s25] =	ssyncset.done $0x0  }
0xc3: {  	[sflag:s25] =	ssyncadd.s32 $0xFFFFF380  }
0xc4: {  	[tilespmem:s29], [sflag:$0x1] =	stream.indirect.gather [hbm4b:s1+s28], $0x80, s21, s28, $0xb8;
	[tilespmem:$0x1D880] =	vst v63  }
0xc5: {  	s23 =	simm.s32 $0x80  }
0xc6: {  	[tilespmem:s30], [sflag:$0x2] =	stream.indirect.gather [hbm4b:s1+s28], $0x80, s23, s28, $0xb8;
	[tilespmem:$0x1D880] =	vst v63  }
0xc7: {  	_ =	swait.ge [sflag:s31], $0x800  }
0xc8: {  	s20 =	simm.s32 $0x26;
	[sflag:s31] =	ssyncset.done $0x0  }
.LBB2_4:
0xc9: {  	p1 =	sne.s32 s20, $0x1;
	s20 =	sadd.s32 $0xFFFFFFFF, s20;
	[sflag:s31] =	ssyncadd.s32 $0xFFFFF800  }
.Ltmp1:
0xca: {  	(pc) =	sbr.rel @p1 .LBB2_4-.Ltmp1, $3  }
0xcb: {  	_ =	sdelay $0x1  }
0xcc: {  	_ =	swait.ge [sflag:s31], $0x800  }
0xcd: {  	[sflag:s31] =	ssyncset.done $0x0  }
0xce: {  	[sflag:s31] =	ssyncadd.s32 $0xFFFFF800;
	s20 =	simm.s32 @!p0 $0x6  }
0xcf: {  	_ =	swait.ge @!p0 [sflag:s20], $0x800  }
0xd0: {  	[sflag:s20] =	ssyncset.done @!p0 $0x0  }
0xd1: {  	[sflag:s20] =	ssyncadd.s32 @!p0 $0xFFFFF800  }
0xd2: {  	[bflag:$0x0] =	sbarrier.arrive $0xFFFF  }
0xd3: {  	p1 =	por $0x1, $0x1;
	s20 =	rddreg [dreg:$0x5]  }
0xd4: {  	s21 =	simm.s32 @!p1 $0x0;
	s22 =	simm.s32 @!p1 $0x7;
	s20 =	sadd.s32 @!p1 $0x0, s20  }
0xd5: {  	[tilespmem:s21], [sflag:$0x7] =	stream.linear.gather @!p1 [hbm4b:s20+s21], $0xC80, $0x38;
	[tilespmem:$0x1D880] =	vst v63  }
0xd6: {  	_ =	swait.ge @!p1 [sflag:s22], $0xC80  }
0xd7: {  	s20 =	rddreg [dreg:$0x4];
	[sflag:s22] =	ssyncset.done @!p1 $0x0  }
0xd8: {  	s23 =	simm.s32 @!p1 $0x1000;
	[sflag:s22] =	ssyncadd.s32 @!p1 $0xFFFFF380;
	s20 =	sadd.s32 @!p1 $0x0, s20  }
0xd9: {  	[tilespmem:s23], [sflag:$0x7] =	stream.linear.gather @!p1 [hbm4b:s20+s21], $0xC80, $0x38;
	[tilespmem:$0x1D880] =	vst v63  }
0xda: {  	_ =	swait.ge @!p1 [sflag:s22], $0xC80  }
0xdb: {  	[sflag:s22] =	ssyncset.done @!p1 $0x0  }
0xdc: {  	s20 =	simm.s32 @!p1 $0x50;
	[sflag:s22] =	ssyncadd.s32 @!p1 $0xFFFFF380;
	s22 =	simm.s32 @!p1 $0x2000  }
0xdd: {  	[tilespmem:s22], [sflag:$0x1] =	stream.indirect.gather @!p1 [hbm4b:s1+s20], $0x80, s21, s20, $0xb8;
	[tilespmem:$0x1D880] =	vst v63  }
0xde: {  	s21 =	simm.s32 @!p1 $0x80;
	s22 =	simm.s32 @!p1 $0x4800  }
0xdf: {  	[tilespmem:s22], [sflag:$0x2] =	stream.indirect.gather @!p1 [hbm4b:s1+s20], $0x80, s21, s20, $0xb8;
	[tilespmem:$0x1D880] =	vst v63  }
0xe0: {  	_ =	swait.ge [sflag:s0], $0x2800  }
0xe1: {  	[sflag:s0] =	ssyncset.done $0x0  }
0xe2: {  	[sflag:s0] =	ssyncadd.s32 $0xFFFFD800  }
0xe3: {  	[spmem:s3] =	stream.indirect.scatter.add.f32 [tilespmem:s29], [sflag:$0x4], $0x80, s26, s28, $0xb8;
	[tilespmem:$0x1D880] =	vst v63  }
0xe4: {  	s6 =	rddreg [dreg:$0x6]  }
0xe5: {  	[tilespmem:s2], [sflag:$0x3] =	stream.indirect.gather [hbm4b:s1+s28], $0x80, s6, s28, $0xb8;
	[tilespmem:$0x1D880] =	vst v63  }
0xe6: {  	_ =	swait.ge [sflag:s7], $0x2800  }
0xe7: {  	[sflag:s7] =	ssyncset.done $0x0  }
0xe8: {  	s21 =	rddreg [dreg:$0x7];
	[sflag:s7] =	ssyncadd.s32 $0xFFFFD800  }
0xe9: {  	[spmem:s3] =	stream.indirect.scatter.add.f32 [tilespmem:s30], [sflag:$0x5], $0x80, s21, s28, $0xb8;
	[tilespmem:$0x1D880] =	vst v63  }
0xea: {  	_ =	swait.ge [sflag:s8], $0x2800  }
0xeb: {  	[sflag:s8] =	ssyncset.done $0x0  }
0xec: {  	s22 =	rddreg [dreg:$0x8];
	[sflag:s8] =	ssyncadd.s32 $0xFFFFD800  }
0xed: {  	[tilespmem:s29], [sflag:$0x1] =	stream.indirect.gather [hbm4b:s1+s28], $0x80, s22, s28, $0xb8;
	[tilespmem:$0x1D880] =	vst v63  }
0xee: {  	_ =	swait.ge [sflag:s9], $0x2800  }
0xef: {  	[sflag:s9] =	ssyncset.done $0x0  }
0xf0: {  	s23 =	rddreg [dreg:$0x9];
	[sflag:s9] =	ssyncadd.s32 $0xFFFFD800  }
0xf1: {  	[spmem:s3] =	stream.indirect.scatter.add.f32 [tilespmem:s2], [sflag:$0x6], $0x80, s23, s28, $0xb8;
	[tilespmem:$0x1D880] =	vst v63  }
0xf2: {  	_ =	swait.ge [sflag:s10], $0x2800  }
0xf3: {  	[sflag:s10] =	ssyncset.done $0x0  }
0xf4: {  	s4 =	rddreg [dreg:$0xa];
	[sflag:s10] =	ssyncadd.s32 $0xFFFFD800  }
0xf5: {  	[tilespmem:s30], [sflag:$0x2] =	stream.indirect.gather [hbm4b:s1+s28], $0x80, s4, s28, $0xb8;
	[tilespmem:$0x1D880] =	vst v63  }
0xf6: {  	_ =	swait.ge [sflag:s0], $0x2800  }
0xf7: {  	[sflag:s0] =	ssyncset.done $0x0  }
0xf8: {  	s6 =	rddreg [dreg:$0xb];
	[sflag:s0] =	ssyncadd.s32 $0xFFFFD800  }
0xf9: {  	[spmem:s3] =	stream.indirect.scatter.add.f32 [tilespmem:s29], [sflag:$0x4], $0x80, s6, s28, $0xb8;
	[tilespmem:$0x1D880] =	vst v63  }
0xfa: {  	_ =	swait.ge [sflag:s31], $0x2800  }
0xfb: {  	[sflag:s31] =	ssyncset.done $0x0  }
0xfc: {  	s21 =	rddreg [dreg:$0xc];
	[sflag:s31] =	ssyncadd.s32 $0xFFFFD800  }
0xfd: {  	[tilespmem:s2], [sflag:$0x3] =	stream.indirect.gather [hbm4b:s1+s28], $0x80, s21, s28, $0xb8;
	[tilespmem:$0x1D880] =	vst v63  }
0xfe: {  	_ =	swait.ge [sflag:s7], $0x2800  }
0xff: {  	[sflag:s7] =	ssyncset.done $0x0  }
0x100: {  	s22 =	rddreg [dreg:$0xd];
	[sflag:s7] =	ssyncadd.s32 $0xFFFFD800  }
0x101: {  	[spmem:s3] =	stream.indirect.scatter.add.f32 [tilespmem:s30], [sflag:$0x5], $0x80, s22, s28, $0xb8;
	[tilespmem:$0x1D880] =	vst v63  }
0x102: {  	_ =	swait.ge [sflag:s8], $0x2800  }
0x103: {  	[sflag:s8] =	ssyncset.done $0x0  }
0x104: {  	s23 =	rddreg [dreg:$0xe];
	[sflag:s8] =	ssyncadd.s32 $0xFFFFD800  }
0x105: {  	[tilespmem:s29], [sflag:$0x1] =	stream.indirect.gather [hbm4b:s1+s28], $0x80, s23, s28, $0xb8;
	[tilespmem:$0x1D880] =	vst v63  }
0x106: {  	_ =	swait.ge [sflag:s9], $0x2800  }
0x107: {  	[sflag:s9] =	ssyncset.done $0x0  }
0x108: {  	s4 =	rddreg [dreg:$0xf];
	[sflag:s9] =	ssyncadd.s32 $0xFFFFD800  }
0x109: {  	[spmem:s3] =	stream.indirect.scatter.add.f32 [tilespmem:s2], [sflag:$0x6], $0x80, s4, s28, $0xb8;
	[tilespmem:$0x1D880] =	vst v63  }
0x10a: {  	_ =	swait.ge [sflag:s10], $0x2800  }
0x10b: {  	[sflag:s10] =	ssyncset.done $0x0  }
0x10c: {  	s6 =	rddreg [dreg:$0x10];
	[sflag:s10] =	ssyncadd.s32 $0xFFFFD800  }
0x10d: {  	[tilespmem:s30], [sflag:$0x2] =	stream.indirect.gather [hbm4b:s1+s28], $0x80, s6, s28, $0xb8;
	[tilespmem:$0x1D880] =	vst v63  }
0x10e: {  	_ =	swait.ge [sflag:s0], $0x2800  }
0x10f: {  	[sflag:s0] =	ssyncset.done $0x0  }
0x110: {  	s21 =	rddreg [dreg:$0x11];
	[sflag:s0] =	ssyncadd.s32 $0xFFFFD800  }
0x111: {  	[spmem:s3] =	stream.indirect.scatter.add.f32 [tilespmem:s29], [sflag:$0x4], $0x80, s21, s28, $0xb8;
	[tilespmem:$0x1D880] =	vst v63  }
0x112: {  	_ =	swait.ge [sflag:s31], $0x2800  }
0x113: {  	[sflag:s31] =	ssyncset.done $0x0  }
0x114: {  	s22 =	rddreg [dreg:$0x12];
	[sflag:s31] =	ssyncadd.s32 $0xFFFFD800  }
0x115: {  	[tilespmem:s2], [sflag:$0x3] =	stream.indirect.gather [hbm4b:s1+s28], $0x80, s22, s28, $0xb8;
	[tilespmem:$0x1D880] =	vst v63  }
0x116: {  	_ =	swait.ge [sflag:s7], $0x2800  }
0x117: {  	[sflag:s7] =	ssyncset.done $0x0  }
0x118: {  	s23 =	rddreg [dreg:$0x13];
	[sflag:s7] =	ssyncadd.s32 $0xFFFFD800  }
0x119: {  	[spmem:s3] =	stream.indirect.scatter.add.f32 [tilespmem:s30], [sflag:$0x5], $0x80, s23, s28, $0xb8;
	[tilespmem:$0x1D880] =	vst v63  }
0x11a: {  	_ =	swait.ge [sflag:s8], $0x2800  }
0x11b: {  	[sflag:s8] =	ssyncset.done $0x0  }
0x11c: {  	s4 =	rddreg [dreg:$0x14];
	[sflag:s8] =	ssyncadd.s32 $0xFFFFD800  }
0x11d: {  	[tilespmem:s29], [sflag:$0x1] =	stream.indirect.gather [hbm4b:s1+s28], $0x80, s4, s28, $0xb8;
	[tilespmem:$0x1D880] =	vst v63  }
0x11e: {  	_ =	swait.ge [sflag:s9], $0x2800  }
0x11f: {  	[sflag:s9] =	ssyncset.done $0x0  }
0x120: {  	s6 =	rddreg [dreg:$0x15];
	[sflag:s9] =	ssyncadd.s32 $0xFFFFD800  }
0x121: {  	[spmem:s3] =	stream.indirect.scatter.add.f32 [tilespmem:s2], [sflag:$0x6], $0x80, s6, s28, $0xb8;
	[tilespmem:$0x1D880] =	vst v63  }
0x122: {  	_ =	swait.ge [sflag:s10], $0x2800  }
0x123: {  	[sflag:s10] =	ssyncset.done $0x0  }
0x124: {  	s21 =	rddreg [dreg:$0x16];
	[sflag:s10] =	ssyncadd.s32 $0xFFFFD800  }
0x125: {  	[tilespmem:s30], [sflag:$0x2] =	stream.indirect.gather [hbm4b:s1+s28], $0x80, s21, s28, $0xb8;
	[tilespmem:$0x1D880] =	vst v63  }
0x126: {  	_ =	swait.ge [sflag:s0], $0x2800  }
0x127: {  	[sflag:s0] =	ssyncset.done $0x0  }
0x128: {  	s22 =	rddreg [dreg:$0x17];
	[sflag:s0] =	ssyncadd.s32 $0xFFFFD800  }
0x129: {  	[spmem:s3] =	stream.indirect.scatter.add.f32 [tilespmem:s29], [sflag:$0x4], $0x80, s22, s28, $0xb8;
	[tilespmem:$0x1D880] =	vst v63  }
0x12a: {  	_ =	swait.ge [sflag:s31], $0x2800  }
0x12b: {  	[sflag:s31] =	ssyncset.done $0x0  }
0x12c: {  	s23 =	rddreg [dreg:$0x18];
	[sflag:s31] =	ssyncadd.s32 $0xFFFFD800  }
0x12d: {  	[tilespmem:s2], [sflag:$0x3] =	stream.indirect.gather [hbm4b:s1+s28], $0x80, s23, s28, $0xb8;
	[tilespmem:$0x1D880] =	vst v63  }
0x12e: {  	_ =	swait.ge [sflag:s7], $0x2800  }
0x12f: {  	[sflag:s7] =	ssyncset.done $0x0  }
0x130: {  	s4 =	rddreg [dreg:$0x19];
	[sflag:s7] =	ssyncadd.s32 $0xFFFFD800  }
0x131: {  	[spmem:s3] =	stream.indirect.scatter.add.f32 [tilespmem:s30], [sflag:$0x5], $0x80, s4, s28, $0xb8;
	[tilespmem:$0x1D880] =	vst v63  }
0x132: {  	_ =	swait.ge [sflag:s8], $0x2800  }
0x133: {  	[sflag:s8] =	ssyncset.done $0x0  }
0x134: {  	s6 =	rddreg [dreg:$0x1a];
	[sflag:s8] =	ssyncadd.s32 $0xFFFFD800  }
0x135: {  	[tilespmem:s29], [sflag:$0x1] =	stream.indirect.gather [hbm4b:s1+s28], $0x80, s6, s28, $0xb8;
	[tilespmem:$0x1D880] =	vst v63  }
0x136: {  	_ =	swait.ge [sflag:s9], $0x2800  }
0x137: {  	[sflag:s9] =	ssyncset.done $0x0  }
0x138: {  	s21 =	rddreg [dreg:$0x1b];
	[sflag:s9] =	ssyncadd.s32 $0xFFFFD800  }
0x139: {  	[spmem:s3] =	stream.indirect.scatter.add.f32 [tilespmem:s2], [sflag:$0x6], $0x80, s21, s28, $0xb8;
	[tilespmem:$0x1D880] =	vst v63  }
0x13a: {  	_ =	swait.ge [sflag:s10], $0x2800  }
0x13b: {  	[sflag:s10] =	ssyncset.done $0x0  }
0x13c: {  	s22 =	rddreg [dreg:$0x1c];
	[sflag:s10] =	ssyncadd.s32 $0xFFFFD800  }
0x13d: {  	[tilespmem:s30], [sflag:$0x2] =	stream.indirect.gather [hbm4b:s1+s28], $0x80, s22, s28, $0xb8;
	[tilespmem:$0x1D880] =	vst v63  }
0x13e: {  	_ =	swait.ge [sflag:s0], $0x2800  }
0x13f: {  	[sflag:s0] =	ssyncset.done $0x0  }
0x140: {  	s23 =	rddreg [dreg:$0x1d];
	[sflag:s0] =	ssyncadd.s32 $0xFFFFD800  }
0x141: {  	[spmem:s3] =	stream.indirect.scatter.add.f32 [tilespmem:s29], [sflag:$0x4], $0x80, s23, s28, $0xb8;
	[tilespmem:$0x1D880] =	vst v63  }
0x142: {  	_ =	swait.ge [sflag:s31], $0x2800  }
0x143: {  	[sflag:s31] =	ssyncset.done $0x0  }
0x144: {  	s4 =	rddreg [dreg:$0x1e];
	[sflag:s31] =	ssyncadd.s32 $0xFFFFD800  }
0x145: {  	[tilespmem:s2], [sflag:$0x3] =	stream.indirect.gather [hbm4b:s1+s28], $0x80, s4, s28, $0xb8;
	[tilespmem:$0x1D880] =	vst v63  }
0x146: {  	_ =	swait.ge [sflag:s7], $0x2800  }
0x147: {  	[sflag:s7] =	ssyncset.done $0x0  }
0x148: {  	s6 =	rddreg [dreg:$0x1f];
	[sflag:s7] =	ssyncadd.s32 $0xFFFFD800  }
0x149: {  	[spmem:s3] =	stream.indirect.scatter.add.f32 [tilespmem:s30], [sflag:$0x5], $0x80, s6, s28, $0xb8;
	[tilespmem:$0x1D880] =	vst v63  }
0x14a: {  	_ =	swait.ge [sflag:s8], $0x2800  }
0x14b: {  	s21 =	sld [smem:$0x7CB]  }
0x14c: {  	[sflag:s8] =	ssyncset.done $0x0  }
0x14d: {  	[sflag:s8] =	ssyncadd.s32 $0xFFFFD800  }
0x14e: {  	[tilespmem:s29], [sflag:$0x1] =	stream.indirect.gather [hbm4b:s1+s28], $0x80, s21, s28, $0xb8;
	[tilespmem:$0x1D880] =	vst v63  }
0x14f: {  	_ =	swait.ge [sflag:s9], $0x2800  }
0x150: {  	s22 =	sld [smem:$0x7CD]  }
0x151: {  	[sflag:s9] =	ssyncset.done $0x0  }
0x152: {  	[sflag:s9] =	ssyncadd.s32 $0xFFFFD800  }
0x153: {  	[spmem:s3] =	stream.indirect.scatter.add.f32 [tilespmem:s2], [sflag:$0x6], $0x80, s22, s28, $0xb8;
	[tilespmem:$0x1D880] =	vst v63  }
0x154: {  	_ =	swait.ge [sflag:s10], $0x2800  }
0x155: {  	s23 =	sld [smem:$0x7CF]  }
0x156: {  	[sflag:s10] =	ssyncset.done $0x0  }
0x157: {  	[sflag:s10] =	ssyncadd.s32 $0xFFFFD800  }
0x158: {  	[tilespmem:s30], [sflag:$0x2] =	stream.indirect.gather [hbm4b:s1+s28], $0x80, s23, s28, $0xb8;
	[tilespmem:$0x1D880] =	vst v63  }
0x159: {  	_ =	swait.ge [sflag:s0], $0x2800  }
0x15a: {  	s4 =	sld [smem:$0x7D1]  }
0x15b: {  	[sflag:s0] =	ssyncset.done $0x0  }
0x15c: {  	[sflag:s0] =	ssyncadd.s32 $0xFFFFD800  }
0x15d: {  	[spmem:s3] =	stream.indirect.scatter.add.f32 [tilespmem:s29], [sflag:$0x4], $0x80, s4, s28, $0xb8;
	[tilespmem:$0x1D880] =	vst v63  }
0x15e: {  	_ =	swait.ge [sflag:s31], $0x2800  }
0x15f: {  	s6 =	sld [smem:$0x7D3]  }
0x160: {  	[sflag:s31] =	ssyncset.done $0x0  }
0x161: {  	[sflag:s31] =	ssyncadd.s32 $0xFFFFD800  }
0x162: {  	[tilespmem:s2], [sflag:$0x3] =	stream.indirect.gather [hbm4b:s1+s28], $0x80, s6, s28, $0xb8;
	[tilespmem:$0x1D880] =	vst v63  }
0x163: {  	_ =	swait.ge [sflag:s7], $0x2800  }
0x164: {  	s21 =	sld [smem:$0x7D5]  }
0x165: {  	[sflag:s7] =	ssyncset.done $0x0  }
0x166: {  	[sflag:s7] =	ssyncadd.s32 $0xFFFFD800  }
0x167: {  	[spmem:s3] =	stream.indirect.scatter.add.f32 [tilespmem:s30], [sflag:$0x5], $0x80, s21, s28, $0xb8;
	[tilespmem:$0x1D880] =	vst v63  }
0x168: {  	_ =	swait.ge [sflag:s8], $0x2800  }
0x169: {  	s22 =	sld [smem:$0x7D7]  }
0x16a: {  	[sflag:s8] =	ssyncset.done $0x0  }
0x16b: {  	[sflag:s8] =	ssyncadd.s32 $0xFFFFD800  }
0x16c: {  	[tilespmem:s29], [sflag:$0x1] =	stream.indirect.gather [hbm4b:s1+s28], $0x80, s22, s28, $0xb8;
	[tilespmem:$0x1D880] =	vst v63  }
0x16d: {  	_ =	swait.ge [sflag:s9], $0x2800  }
0x16e: {  	s23 =	sld [smem:$0x7D9]  }
0x16f: {  	[sflag:s9] =	ssyncset.done $0x0  }
0x170: {  	[sflag:s9] =	ssyncadd.s32 $0xFFFFD800  }
0x171: {  	[spmem:s3] =	stream.indirect.scatter.add.f32 [tilespmem:s2], [sflag:$0x6], $0x80, s23, s28, $0xb8;
	[tilespmem:$0x1D880] =	vst v63  }
0x172: {  	_ =	swait.ge [sflag:s10], $0x2800  }
0x173: {  	s4 =	sld [smem:$0x7DB]  }
0x174: {  	[sflag:s10] =	ssyncset.done $0x0  }
0x175: {  	[sflag:s10] =	ssyncadd.s32 $0xFFFFD800  }
0x176: {  	[tilespmem:s30], [sflag:$0x2] =	stream.indirect.gather [hbm4b:s1+s28], $0x80, s4, s28, $0xb8;
	[tilespmem:$0x1D880] =	vst v63  }
0x177: {  	_ =	swait.ge [sflag:s0], $0x2800  }
0x178: {  	s6 =	sld [smem:$0x7DD]  }
0x179: {  	[sflag:s0] =	ssyncset.done $0x0  }
0x17a: {  	[sflag:s0] =	ssyncadd.s32 $0xFFFFD800  }
0x17b: {  	[spmem:s3] =	stream.indirect.scatter.add.f32 [tilespmem:s29], [sflag:$0x4], $0x80, s6, s28, $0xb8;
	[tilespmem:$0x1D880] =	vst v63  }
0x17c: {  	_ =	swait.ge [sflag:s31], $0x2800  }
0x17d: {  	s21 =	sld [smem:$0x7DF]  }
0x17e: {  	[sflag:s31] =	ssyncset.done $0x0  }
0x17f: {  	[sflag:s31] =	ssyncadd.s32 $0xFFFFD800  }
0x180: {  	[tilespmem:s2], [sflag:$0x3] =	stream.indirect.gather [hbm4b:s1+s28], $0x80, s21, s28, $0xb8;
	[tilespmem:$0x1D880] =	vst v63  }
0x181: {  	_ =	swait.ge [sflag:s7], $0x2800  }
0x182: {  	s22 =	sld [smem:$0x7E1]  }
0x183: {  	[sflag:s7] =	ssyncset.done $0x0  }
0x184: {  	[sflag:s7] =	ssyncadd.s32 $0xFFFFD800  }
0x185: {  	[spmem:s3] =	stream.indirect.scatter.add.f32 [tilespmem:s30], [sflag:$0x5], $0x80, s22, s28, $0xb8;
	[tilespmem:$0x1D880] =	vst v63  }
0x186: {  	_ =	swait.ge [sflag:s8], $0x2800  }
0x187: {  	s23 =	sld [smem:$0x7E3]  }
0x188: {  	[sflag:s8] =	ssyncset.done $0x0  }
0x189: {  	[sflag:s8] =	ssyncadd.s32 $0xFFFFD800  }
0x18a: {  	[tilespmem:s29], [sflag:$0x1] =	stream.indirect.gather [hbm4b:s1+s28], $0x80, s23, s28, $0xb8;
	[tilespmem:$0x1D880] =	vst v63  }
0x18b: {  	_ =	swait.ge [sflag:s9], $0x2800  }
0x18c: {  	[sflag:s9] =	ssyncset.done $0x0  }
0x18d: {  	[sflag:s9] =	ssyncadd.s32 $0xFFFFD800  }
0x18e: {  	[spmem:s3] =	stream.indirect.scatter.add.f32 [tilespmem:s2], [sflag:$0x6], $0x80, s11, s28, $0xb8;
	[tilespmem:$0x1D880] =	vst v63  }
0x18f: {  	_ =	swait.ge [sflag:s10], $0x2800  }
0x190: {  	[sflag:s10] =	ssyncset.done $0x0  }
0x191: {  	[sflag:s10] =	ssyncadd.s32 $0xFFFFD800  }
0x192: {  	[tilespmem:s30], [sflag:$0x2] =	stream.indirect.gather [hbm4b:s1+s28], $0x80, s12, s28, $0xb8;
	[tilespmem:$0x1D880] =	vst v63  }
0x193: {  	_ =	swait.ge [sflag:s0], $0x2800  }
0x194: {  	[sflag:s0] =	ssyncset.done $0x0  }
0x195: {  	[sflag:s0] =	ssyncadd.s32 $0xFFFFD800  }
0x196: {  	[spmem:s3] =	stream.indirect.scatter.add.f32 [tilespmem:s29], [sflag:$0x4], $0x80, s13, s28, $0xb8;
	[tilespmem:$0x1D880] =	vst v63  }
0x197: {  	_ =	swait.ge [sflag:s31], $0x2800  }
0x198: {  	[sflag:s31] =	ssyncset.done $0x0  }
0x199: {  	[sflag:s31] =	ssyncadd.s32 $0xFFFFD800  }
0x19a: {  	[tilespmem:s2], [sflag:$0x3] =	stream.indirect.gather [hbm4b:s1+s28], $0x80, s14, s28, $0xb8;
	[tilespmem:$0x1D880] =	vst v63  }
0x19b: {  	_ =	swait.ge [sflag:s7], $0x2800  }
0x19c: {  	[sflag:s7] =	ssyncset.done $0x0  }
0x19d: {  	[sflag:s7] =	ssyncadd.s32 $0xFFFFD800  }
0x19e: {  	[spmem:s3] =	stream.indirect.scatter.add.f32 [tilespmem:s30], [sflag:$0x5], $0x80, s15, s28, $0xb8;
	[tilespmem:$0x1D880] =	vst v63  }
0x19f: {  	_ =	swait.ge [sflag:s8], $0x2800  }
0x1a0: {  	[sflag:s8] =	ssyncset.done $0x0  }
0x1a1: {  	[sflag:s8] =	ssyncadd.s32 $0xFFFFD800  }
0x1a2: {  	[tilespmem:s29], [sflag:$0x1] =	stream.indirect.gather [hbm4b:s1+s28], $0x80, s16, s28, $0xb8;
	[tilespmem:$0x1D880] =	vst v63  }
0x1a3: {  	_ =	swait.ge [sflag:s9], $0x2800  }
0x1a4: {  	[sflag:s9] =	ssyncset.done $0x0  }
0x1a5: {  	[sflag:s9] =	ssyncadd.s32 $0xFFFFD800  }
0x1a6: {  	[spmem:s3] =	stream.indirect.scatter.add.f32 [tilespmem:s2], [sflag:$0x6], $0x80, s17, s28, $0xb8;
	[tilespmem:$0x1D880] =	vst v63  }
0x1a7: {  	_ =	swait.ge [sflag:s10], $0x2800  }
0x1a8: {  	[sflag:s10] =	ssyncset.done $0x0  }
0x1a9: {  	[sflag:s10] =	ssyncadd.s32 $0xFFFFD800  }
0x1aa: {  	_ =	swait.ge [sflag:s0], $0x2800  }
0x1ab: {  	[sflag:s0] =	ssyncset.done $0x0  }
0x1ac: {  	[sflag:s0] =	ssyncadd.s32 $0xFFFFD800  }
0x1ad: {  	[spmem:s3] =	stream.indirect.scatter.add.f32 [tilespmem:s29], [sflag:$0x4], $0x80, s18, s28, $0xb8;
	[tilespmem:$0x1D880] =	vst v63  }
0x1ae: {  	_ =	swait.ge [sflag:s31], $0x2800  }
0x1af: {  	[sflag:s31] =	ssyncset.done $0x0  }
0x1b0: {  	[sflag:s31] =	ssyncadd.s32 $0xFFFFD800  }
0x1b1: {  	s20 =	simm.s32 $0x200;
	_ =	swait.ge [sflag:s8], $0x2800  }
0x1b2: {  	s21 =	simm.s32 $0x400;
	s22 =	rddreg [dreg:$0x5];
	[sflag:s8] =	ssyncset.done $0x0  }
.LBB2_6:
0x1b3: {  	[sflag:s8] =	ssyncadd.s32 $0xFFFFD800;
	p2 =	seq.s32 s20, $0x0  }
0x1b4: {  	s22 =	sadd.s32 @!p2 s20, s22;
	s4 =	simm.s32 @!p2 $0x0;
	s6 =	simm.s32 @!p2 $0x7  }
0x1b5: {  	[tilespmem:s4], [sflag:$0x7] =	stream.linear.gather @!p2 [hbm4b:s22+s4], $0xC80, $0x38;
	[tilespmem:$0x1D880] =	vst v63  }
0x1b6: {  	_ =	swait.ge @!p2 [sflag:s6], $0xC80  }
0x1b7: {  	s22 =	rddreg [dreg:$0x4];
	[sflag:s6] =	ssyncset.done @!p2 $0x0  }
0x1b8: {  	[sflag:s6] =	ssyncadd.s32 @!p2 $0xFFFFF380;
	s20 =	sadd.s32 @!p2 s20, s22;
	s22 =	simm.s32 @!p2 $0x1000  }
0x1b9: {  	[tilespmem:s22], [sflag:$0x7] =	stream.linear.gather @!p2 [hbm4b:s20+s4], $0xC80, $0x38;
	[tilespmem:$0x1D880] =	vst v63  }
0x1ba: {  	_ =	swait.ge @!p2 [sflag:s6], $0xC80  }
0x1bb: {  	[sflag:s6] =	ssyncset.done @!p2 $0x0  }
0x1bc: {  	s22 =	simm.s32 @!p2 $0x2000;
	[sflag:s6] =	ssyncadd.s32 @!p2 $0xFFFFF380;
	s6 =	simm.s32 @!p2 $0x50  }
0x1bd: {  	[tilespmem:s22], [sflag:$0x1] =	stream.indirect.gather @!p2 [hbm4b:s1+s6], $0x80, s4, s6, $0xb8;
	[tilespmem:$0x1D880] =	vst v63  }
0x1be: {  	s4 =	simm.s32 @!p2 $0x80;
	s22 =	simm.s32 @!p2 $0x4800  }
0x1bf: {  	[tilespmem:s22], [sflag:$0x2] =	stream.indirect.gather @!p2 [hbm4b:s1+s6], $0x80, s4, s6, $0xb8;
	[tilespmem:$0x1D880] =	vst v63  }
0x1c0: {  	_ =	swait.ge [sflag:s0], $0x2800  }
0x1c1: {  	[sflag:s0] =	ssyncset.done $0x0  }
0x1c2: {  	[sflag:s0] =	ssyncadd.s32 $0xFFFFD800  }
0x1c3: {  	[spmem:s3] =	stream.indirect.scatter.add.f32 [tilespmem:s29], [sflag:$0x4], $0x80, s26, s28, $0xb8;
	[tilespmem:$0x1D880] =	vst v63  }
0x1c4: {  	s6 =	rddreg [dreg:$0x6]  }
0x1c5: {  	[tilespmem:s2], [sflag:$0x3] =	stream.indirect.gather [hbm4b:s1+s28], $0x80, s6, s28, $0xb8;
	[tilespmem:$0x1D880] =	vst v63  }
0x1c6: {  	_ =	swait.ge [sflag:s7], $0x2800  }
0x1c7: {  	[sflag:s7] =	ssyncset.done $0x0  }
0x1c8: {  	s22 =	rddreg [dreg:$0x7];
	[sflag:s7] =	ssyncadd.s32 $0xFFFFD800  }
0x1c9: {  	[spmem:s3] =	stream.indirect.scatter.add.f32 [tilespmem:s30], [sflag:$0x5], $0x80, s22, s28, $0xb8;
	[tilespmem:$0x1D880] =	vst v63  }
0x1ca: {  	_ =	swait.ge [sflag:s8], $0x2800  }
0x1cb: {  	s23 =	smov.u32 s21;
	[sflag:s8] =	ssyncset.done $0x0  }
0x1cc: {  	s20 =	smov.u32 s23;
	s23 =	rddreg [dreg:$0x8];
	[sflag:s8] =	ssyncadd.s32 $0xFFFFD800  }
0x1cd: {  	[tilespmem:s29], [sflag:$0x1] =	stream.indirect.gather [hbm4b:s1+s28], $0x80, s23, s28, $0xb8;
	[tilespmem:$0x1D880] =	vst v63  }
0x1ce: {  	_ =	swait.ge [sflag:s9], $0x2800  }
0x1cf: {  	[sflag:s9] =	ssyncset.done $0x0  }
0x1d0: {  	s6 =	rddreg [dreg:$0x9];
	[sflag:s9] =	ssyncadd.s32 $0xFFFFD800  }
0x1d1: {  	[spmem:s3] =	stream.indirect.scatter.add.f32 [tilespmem:s2], [sflag:$0x6], $0x80, s6, s28, $0xb8;
	[tilespmem:$0x1D880] =	vst v63  }
0x1d2: {  	_ =	swait.ge [sflag:s10], $0x2800  }
0x1d3: {  	[sflag:s10] =	ssyncset.done $0x0  }
0x1d4: {  	s22 =	rddreg [dreg:$0xa];
	[sflag:s10] =	ssyncadd.s32 $0xFFFFD800  }
0x1d5: {  	[tilespmem:s30], [sflag:$0x2] =	stream.indirect.gather [hbm4b:s1+s28], $0x80, s22, s28, $0xb8;
	[tilespmem:$0x1D880] =	vst v63  }
0x1d6: {  	_ =	swait.ge [sflag:s0], $0x2800  }
0x1d7: {  	[sflag:s0] =	ssyncset.done $0x0  }
0x1d8: {  	s23 =	rddreg [dreg:$0xb];
	[sflag:s0] =	ssyncadd.s32 $0xFFFFD800  }
0x1d9: {  	[spmem:s3] =	stream.indirect.scatter.add.f32 [tilespmem:s29], [sflag:$0x4], $0x80, s23, s28, $0xb8;
	[tilespmem:$0x1D880] =	vst v63  }
0x1da: {  	_ =	swait.ge [sflag:s31], $0x2800  }
0x1db: {  	[sflag:s31] =	ssyncset.done $0x0  }
0x1dc: {  	s6 =	rddreg [dreg:$0xc];
	[sflag:s31] =	ssyncadd.s32 $0xFFFFD800  }
0x1dd: {  	[tilespmem:s2], [sflag:$0x3] =	stream.indirect.gather [hbm4b:s1+s28], $0x80, s6, s28, $0xb8;
	[tilespmem:$0x1D880] =	vst v63  }
0x1de: {  	_ =	swait.ge [sflag:s7], $0x2800  }
0x1df: {  	[sflag:s7] =	ssyncset.done $0x0  }
0x1e0: {  	s22 =	rddreg [dreg:$0xd];
	[sflag:s7] =	ssyncadd.s32 $0xFFFFD800  }
0x1e1: {  	[spmem:s3] =	stream.indirect.scatter.add.f32 [tilespmem:s30], [sflag:$0x5], $0x80, s22, s28, $0xb8;
	[tilespmem:$0x1D880] =	vst v63  }
0x1e2: {  	_ =	swait.ge [sflag:s8], $0x2800  }
0x1e3: {  	[sflag:s8] =	ssyncset.done $0x0  }
0x1e4: {  	s23 =	rddreg [dreg:$0xe];
	[sflag:s8] =	ssyncadd.s32 $0xFFFFD800  }
0x1e5: {  	[tilespmem:s29], [sflag:$0x1] =	stream.indirect.gather [hbm4b:s1+s28], $0x80, s23, s28, $0xb8;
	[tilespmem:$0x1D880] =	vst v63  }
0x1e6: {  	_ =	swait.ge [sflag:s9], $0x2800  }
0x1e7: {  	[sflag:s9] =	ssyncset.done $0x0  }
0x1e8: {  	s6 =	rddreg [dreg:$0xf];
	[sflag:s9] =	ssyncadd.s32 $0xFFFFD800  }
0x1e9: {  	[spmem:s3] =	stream.indirect.scatter.add.f32 [tilespmem:s2], [sflag:$0x6], $0x80, s6, s28, $0xb8;
	[tilespmem:$0x1D880] =	vst v63  }
0x1ea: {  	_ =	swait.ge [sflag:s10], $0x2800  }
0x1eb: {  	[sflag:s10] =	ssyncset.done $0x0  }
0x1ec: {  	s22 =	rddreg [dreg:$0x10];
	[sflag:s10] =	ssyncadd.s32 $0xFFFFD800  }
0x1ed: {  	[tilespmem:s30], [sflag:$0x2] =	stream.indirect.gather [hbm4b:s1+s28], $0x80, s22, s28, $0xb8;
	[tilespmem:$0x1D880] =	vst v63  }
0x1ee: {  	_ =	swait.ge [sflag:s0], $0x2800  }
0x1ef: {  	[sflag:s0] =	ssyncset.done $0x0  }
0x1f0: {  	s23 =	rddreg [dreg:$0x11];
	[sflag:s0] =	ssyncadd.s32 $0xFFFFD800  }
0x1f1: {  	[spmem:s3] =	stream.indirect.scatter.add.f32 [tilespmem:s29], [sflag:$0x4], $0x80, s23, s28, $0xb8;
	[tilespmem:$0x1D880] =	vst v63  }
0x1f2: {  	_ =	swait.ge [sflag:s31], $0x2800  }
0x1f3: {  	[sflag:s31] =	ssyncset.done $0x0  }
0x1f4: {  	s6 =	rddreg [dreg:$0x12];
	[sflag:s31] =	ssyncadd.s32 $0xFFFFD800  }
0x1f5: {  	[tilespmem:s2], [sflag:$0x3] =	stream.indirect.gather [hbm4b:s1+s28], $0x80, s6, s28, $0xb8;
	[tilespmem:$0x1D880] =	vst v63  }
0x1f6: {  	_ =	swait.ge [sflag:s7], $0x2800  }
0x1f7: {  	[sflag:s7] =	ssyncset.done $0x0  }
0x1f8: {  	s22 =	rddreg [dreg:$0x13];
	[sflag:s7] =	ssyncadd.s32 $0xFFFFD800  }
0x1f9: {  	[spmem:s3] =	stream.indirect.scatter.add.f32 [tilespmem:s30], [sflag:$0x5], $0x80, s22, s28, $0xb8;
	[tilespmem:$0x1D880] =	vst v63  }
0x1fa: {  	_ =	swait.ge [sflag:s8], $0x2800  }
0x1fb: {  	[sflag:s8] =	ssyncset.done $0x0  }
0x1fc: {  	s23 =	rddreg [dreg:$0x14];
	[sflag:s8] =	ssyncadd.s32 $0xFFFFD800  }
0x1fd: {  	[tilespmem:s29], [sflag:$0x1] =	stream.indirect.gather [hbm4b:s1+s28], $0x80, s23, s28, $0xb8;
	[tilespmem:$0x1D880] =	vst v63  }
0x1fe: {  	_ =	swait.ge [sflag:s9], $0x2800  }
0x1ff: {  	[sflag:s9] =	ssyncset.done $0x0  }
0x200: {  	s6 =	rddreg [dreg:$0x15];
	[sflag:s9] =	ssyncadd.s32 $0xFFFFD800  }
0x201: {  	[spmem:s3] =	stream.indirect.scatter.add.f32 [tilespmem:s2], [sflag:$0x6], $0x80, s6, s28, $0xb8;
	[tilespmem:$0x1D880] =	vst v63  }
0x202: {  	_ =	swait.ge [sflag:s10], $0x2800  }
0x203: {  	[sflag:s10] =	ssyncset.done $0x0  }
0x204: {  	s22 =	rddreg [dreg:$0x16];
	[sflag:s10] =	ssyncadd.s32 $0xFFFFD800  }
0x205: {  	[tilespmem:s30], [sflag:$0x2] =	stream.indirect.gather [hbm4b:s1+s28], $0x80, s22, s28, $0xb8;
	[tilespmem:$0x1D880] =	vst v63  }
0x206: {  	_ =	swait.ge [sflag:s0], $0x2800  }
0x207: {  	[sflag:s0] =	ssyncset.done $0x0  }
0x208: {  	s23 =	rddreg [dreg:$0x17];
	[sflag:s0] =	ssyncadd.s32 $0xFFFFD800  }
0x209: {  	[spmem:s3] =	stream.indirect.scatter.add.f32 [tilespmem:s29], [sflag:$0x4], $0x80, s23, s28, $0xb8;
	[tilespmem:$0x1D880] =	vst v63  }
0x20a: {  	_ =	swait.ge [sflag:s31], $0x2800  }
0x20b: {  	[sflag:s31] =	ssyncset.done $0x0  }
0x20c: {  	s6 =	rddreg [dreg:$0x18];
	[sflag:s31] =	ssyncadd.s32 $0xFFFFD800  }
0x20d: {  	[tilespmem:s2], [sflag:$0x3] =	stream.indirect.gather [hbm4b:s1+s28], $0x80, s6, s28, $0xb8;
	[tilespmem:$0x1D880] =	vst v63  }
0x20e: {  	_ =	swait.ge [sflag:s7], $0x2800  }
0x20f: {  	[sflag:s7] =	ssyncset.done $0x0  }
0x210: {  	s22 =	rddreg [dreg:$0x19];
	[sflag:s7] =	ssyncadd.s32 $0xFFFFD800  }
0x211: {  	[spmem:s3] =	stream.indirect.scatter.add.f32 [tilespmem:s30], [sflag:$0x5], $0x80, s22, s28, $0xb8;
	[tilespmem:$0x1D880] =	vst v63  }
0x212: {  	_ =	swait.ge [sflag:s8], $0x2800  }
0x213: {  	[sflag:s8] =	ssyncset.done $0x0  }
0x214: {  	s23 =	rddreg [dreg:$0x1a];
	[sflag:s8] =	ssyncadd.s32 $0xFFFFD800  }
0x215: {  	[tilespmem:s29], [sflag:$0x1] =	stream.indirect.gather [hbm4b:s1+s28], $0x80, s23, s28, $0xb8;
	[tilespmem:$0x1D880] =	vst v63  }
0x216: {  	_ =	swait.ge [sflag:s9], $0x2800  }
0x217: {  	[sflag:s9] =	ssyncset.done $0x0  }
0x218: {  	s6 =	rddreg [dreg:$0x1b];
	[sflag:s9] =	ssyncadd.s32 $0xFFFFD800  }
0x219: {  	[spmem:s3] =	stream.indirect.scatter.add.f32 [tilespmem:s2], [sflag:$0x6], $0x80, s6, s28, $0xb8;
	[tilespmem:$0x1D880] =	vst v63  }
0x21a: {  	_ =	swait.ge [sflag:s10], $0x2800  }
0x21b: {  	[sflag:s10] =	ssyncset.done $0x0  }
0x21c: {  	s22 =	rddreg [dreg:$0x1c];
	[sflag:s10] =	ssyncadd.s32 $0xFFFFD800  }
0x21d: {  	[tilespmem:s30], [sflag:$0x2] =	stream.indirect.gather [hbm4b:s1+s28], $0x80, s22, s28, $0xb8;
	[tilespmem:$0x1D880] =	vst v63  }
0x21e: {  	_ =	swait.ge [sflag:s0], $0x2800  }
0x21f: {  	[sflag:s0] =	ssyncset.done $0x0  }
0x220: {  	s23 =	rddreg [dreg:$0x1d];
	[sflag:s0] =	ssyncadd.s32 $0xFFFFD800  }
0x221: {  	[spmem:s3] =	stream.indirect.scatter.add.f32 [tilespmem:s29], [sflag:$0x4], $0x80, s23, s28, $0xb8;
	[tilespmem:$0x1D880] =	vst v63  }
0x222: {  	_ =	swait.ge [sflag:s31], $0x2800  }
0x223: {  	[sflag:s31] =	ssyncset.done $0x0  }
0x224: {  	s6 =	rddreg [dreg:$0x1e];
	[sflag:s31] =	ssyncadd.s32 $0xFFFFD800  }
0x225: {  	[tilespmem:s2], [sflag:$0x3] =	stream.indirect.gather [hbm4b:s1+s28], $0x80, s6, s28, $0xb8;
	[tilespmem:$0x1D880] =	vst v63  }
0x226: {  	_ =	swait.ge [sflag:s7], $0x2800  }
0x227: {  	[sflag:s7] =	ssyncset.done $0x0  }
0x228: {  	s22 =	rddreg [dreg:$0x1f];
	[sflag:s7] =	ssyncadd.s32 $0xFFFFD800  }
0x229: {  	[spmem:s3] =	stream.indirect.scatter.add.f32 [tilespmem:s30], [sflag:$0x5], $0x80, s22, s28, $0xb8;
	[tilespmem:$0x1D880] =	vst v63  }
0x22a: {  	_ =	swait.ge [sflag:s8], $0x2800  }
0x22b: {  	s23 =	sld [smem:$0x7CB]  }
0x22c: {  	[sflag:s8] =	ssyncset.done $0x0  }
0x22d: {  	[sflag:s8] =	ssyncadd.s32 $0xFFFFD800  }
0x22e: {  	[tilespmem:s29], [sflag:$0x1] =	stream.indirect.gather [hbm4b:s1+s28], $0x80, s23, s28, $0xb8;
	[tilespmem:$0x1D880] =	vst v63  }
0x22f: {  	_ =	swait.ge [sflag:s9], $0x2800  }
0x230: {  	s6 =	sld [smem:$0x7CD]  }
0x231: {  	[sflag:s9] =	ssyncset.done $0x0  }
0x232: {  	[sflag:s9] =	ssyncadd.s32 $0xFFFFD800  }
0x233: {  	[spmem:s3] =	stream.indirect.scatter.add.f32 [tilespmem:s2], [sflag:$0x6], $0x80, s6, s28, $0xb8;
	[tilespmem:$0x1D880] =	vst v63  }
0x234: {  	_ =	swait.ge [sflag:s10], $0x2800  }
0x235: {  	s22 =	sld [smem:$0x7CF]  }
0x236: {  	[sflag:s10] =	ssyncset.done $0x0  }
0x237: {  	[sflag:s10] =	ssyncadd.s32 $0xFFFFD800  }
0x238: {  	[tilespmem:s30], [sflag:$0x2] =	stream.indirect.gather [hbm4b:s1+s28], $0x80, s22, s28, $0xb8;
	[tilespmem:$0x1D880] =	vst v63  }
0x239: {  	_ =	swait.ge [sflag:s0], $0x2800  }
0x23a: {  	s23 =	sld [smem:$0x7D1]  }
0x23b: {  	[sflag:s0] =	ssyncset.done $0x0  }
0x23c: {  	[sflag:s0] =	ssyncadd.s32 $0xFFFFD800  }
0x23d: {  	[spmem:s3] =	stream.indirect.scatter.add.f32 [tilespmem:s29], [sflag:$0x4], $0x80, s23, s28, $0xb8;
	[tilespmem:$0x1D880] =	vst v63  }
0x23e: {  	_ =	swait.ge [sflag:s31], $0x2800  }
0x23f: {  	s6 =	sld [smem:$0x7D3]  }
0x240: {  	[sflag:s31] =	ssyncset.done $0x0  }
0x241: {  	[sflag:s31] =	ssyncadd.s32 $0xFFFFD800  }
0x242: {  	[tilespmem:s2], [sflag:$0x3] =	stream.indirect.gather [hbm4b:s1+s28], $0x80, s6, s28, $0xb8;
	[tilespmem:$0x1D880] =	vst v63  }
0x243: {  	_ =	swait.ge [sflag:s7], $0x2800  }
0x244: {  	s22 =	sld [smem:$0x7D5]  }
0x245: {  	[sflag:s7] =	ssyncset.done $0x0  }
0x246: {  	[sflag:s7] =	ssyncadd.s32 $0xFFFFD800  }
0x247: {  	[spmem:s3] =	stream.indirect.scatter.add.f32 [tilespmem:s30], [sflag:$0x5], $0x80, s22, s28, $0xb8;
	[tilespmem:$0x1D880] =	vst v63  }
0x248: {  	_ =	swait.ge [sflag:s8], $0x2800  }
0x249: {  	s23 =	sld [smem:$0x7D7]  }
0x24a: {  	[sflag:s8] =	ssyncset.done $0x0  }
0x24b: {  	[sflag:s8] =	ssyncadd.s32 $0xFFFFD800  }
0x24c: {  	[tilespmem:s29], [sflag:$0x1] =	stream.indirect.gather [hbm4b:s1+s28], $0x80, s23, s28, $0xb8;
	[tilespmem:$0x1D880] =	vst v63  }
0x24d: {  	_ =	swait.ge [sflag:s9], $0x2800  }
0x24e: {  	s6 =	sld [smem:$0x7D9]  }
0x24f: {  	[sflag:s9] =	ssyncset.done $0x0  }
0x250: {  	[sflag:s9] =	ssyncadd.s32 $0xFFFFD800  }
0x251: {  	[spmem:s3] =	stream.indirect.scatter.add.f32 [tilespmem:s2], [sflag:$0x6], $0x80, s6, s28, $0xb8;
	[tilespmem:$0x1D880] =	vst v63  }
0x252: {  	_ =	swait.ge [sflag:s10], $0x2800  }
0x253: {  	s22 =	sld [smem:$0x7DB]  }
0x254: {  	[sflag:s10] =	ssyncset.done $0x0  }
0x255: {  	[sflag:s10] =	ssyncadd.s32 $0xFFFFD800  }
0x256: {  	[tilespmem:s30], [sflag:$0x2] =	stream.indirect.gather [hbm4b:s1+s28], $0x80, s22, s28, $0xb8;
	[tilespmem:$0x1D880] =	vst v63  }
0x257: {  	_ =	swait.ge [sflag:s0], $0x2800  }
0x258: {  	s23 =	sld [smem:$0x7DD]  }
0x259: {  	[sflag:s0] =	ssyncset.done $0x0  }
0x25a: {  	[sflag:s0] =	ssyncadd.s32 $0xFFFFD800  }
0x25b: {  	[spmem:s3] =	stream.indirect.scatter.add.f32 [tilespmem:s29], [sflag:$0x4], $0x80, s23, s28, $0xb8;
	[tilespmem:$0x1D880] =	vst v63  }
0x25c: {  	_ =	swait.ge [sflag:s31], $0x2800  }
0x25d: {  	s6 =	sld [smem:$0x7DF]  }
0x25e: {  	[sflag:s31] =	ssyncset.done $0x0  }
0x25f: {  	[sflag:s31] =	ssyncadd.s32 $0xFFFFD800  }
0x260: {  	[tilespmem:s2], [sflag:$0x3] =	stream.indirect.gather [hbm4b:s1+s28], $0x80, s6, s28, $0xb8;
	[tilespmem:$0x1D880] =	vst v63  }
0x261: {  	_ =	swait.ge [sflag:s7], $0x2800  }
0x262: {  	s22 =	sld [smem:$0x7E1]  }
0x263: {  	[sflag:s7] =	ssyncset.done $0x0  }
0x264: {  	[sflag:s7] =	ssyncadd.s32 $0xFFFFD800  }
0x265: {  	[spmem:s3] =	stream.indirect.scatter.add.f32 [tilespmem:s30], [sflag:$0x5], $0x80, s22, s28, $0xb8;
	[tilespmem:$0x1D880] =	vst v63  }
0x266: {  	_ =	swait.ge [sflag:s8], $0x2800  }
0x267: {  	s23 =	sld [smem:$0x7E3]  }
0x268: {  	[sflag:s8] =	ssyncset.done $0x0  }
0x269: {  	[sflag:s8] =	ssyncadd.s32 $0xFFFFD800  }
0x26a: {  	[tilespmem:s29], [sflag:$0x1] =	stream.indirect.gather [hbm4b:s1+s28], $0x80, s23, s28, $0xb8;
	[tilespmem:$0x1D880] =	vst v63  }
0x26b: {  	_ =	swait.ge [sflag:s9], $0x2800  }
0x26c: {  	[sflag:s9] =	ssyncset.done $0x0  }
0x26d: {  	[sflag:s9] =	ssyncadd.s32 $0xFFFFD800  }
0x26e: {  	[spmem:s3] =	stream.indirect.scatter.add.f32 [tilespmem:s2], [sflag:$0x6], $0x80, s11, s28, $0xb8;
	[tilespmem:$0x1D880] =	vst v63  }
0x26f: {  	_ =	swait.ge [sflag:s10], $0x2800  }
0x270: {  	[sflag:s10] =	ssyncset.done $0x0  }
0x271: {  	[sflag:s10] =	ssyncadd.s32 $0xFFFFD800  }
0x272: {  	[tilespmem:s30], [sflag:$0x2] =	stream.indirect.gather [hbm4b:s1+s28], $0x80, s12, s28, $0xb8;
	[tilespmem:$0x1D880] =	vst v63  }
0x273: {  	_ =	swait.ge [sflag:s0], $0x2800  }
0x274: {  	[sflag:s0] =	ssyncset.done $0x0  }
0x275: {  	[sflag:s0] =	ssyncadd.s32 $0xFFFFD800  }
0x276: {  	[spmem:s3] =	stream.indirect.scatter.add.f32 [tilespmem:s29], [sflag:$0x4], $0x80, s13, s28, $0xb8;
	[tilespmem:$0x1D880] =	vst v63  }
0x277: {  	_ =	swait.ge [sflag:s31], $0x2800  }
0x278: {  	[sflag:s31] =	ssyncset.done $0x0  }
0x279: {  	[sflag:s31] =	ssyncadd.s32 $0xFFFFD800  }
0x27a: {  	[tilespmem:s2], [sflag:$0x3] =	stream.indirect.gather [hbm4b:s1+s28], $0x80, s14, s28, $0xb8;
	[tilespmem:$0x1D880] =	vst v63  }
0x27b: {  	_ =	swait.ge [sflag:s7], $0x2800  }
0x27c: {  	[sflag:s7] =	ssyncset.done $0x0  }
0x27d: {  	[sflag:s7] =	ssyncadd.s32 $0xFFFFD800  }
0x27e: {  	[spmem:s3] =	stream.indirect.scatter.add.f32 [tilespmem:s30], [sflag:$0x5], $0x80, s15, s28, $0xb8;
	[tilespmem:$0x1D880] =	vst v63  }
0x27f: {  	_ =	swait.ge [sflag:s8], $0x2800  }
0x280: {  	[sflag:s8] =	ssyncset.done $0x0  }
0x281: {  	[sflag:s8] =	ssyncadd.s32 $0xFFFFD800  }
0x282: {  	[tilespmem:s29], [sflag:$0x1] =	stream.indirect.gather [hbm4b:s1+s28], $0x80, s16, s28, $0xb8;
	[tilespmem:$0x1D880] =	vst v63  }
0x283: {  	_ =	swait.ge [sflag:s9], $0x2800  }
0x284: {  	[sflag:s9] =	ssyncset.done $0x0  }
0x285: {  	[sflag:s9] =	ssyncadd.s32 $0xFFFFD800  }
0x286: {  	[spmem:s3] =	stream.indirect.scatter.add.f32 [tilespmem:s2], [sflag:$0x6], $0x80, s17, s28, $0xb8;
	[tilespmem:$0x1D880] =	vst v63  }
0x287: {  	_ =	swait.ge [sflag:s10], $0x2800  }
0x288: {  	[sflag:s10] =	ssyncset.done $0x0  }
0x289: {  	[sflag:s10] =	ssyncadd.s32 $0xFFFFD800  }
0x28a: {  	_ =	swait.ge [sflag:s0], $0x2800  }
0x28b: {  	s21 =	sadd.s32 $0x200, s21;
	[sflag:s0] =	ssyncset.done $0x0  }
0x28c: {  	p1 =	sne.s32 s21, $0xA00;
	[sflag:s0] =	ssyncadd.s32 $0xFFFFD800  }
0x28d: {  	[spmem:s3] =	stream.indirect.scatter.add.f32 [tilespmem:s29], [sflag:$0x4], $0x80, s18, s28, $0xb8;
	[tilespmem:$0x1D880] =	vst v63  }
.Ltmp2:
0x28e: {  	_ =	swait.ge [sflag:s31], $0x2800;
	(pc) =	sbr.rel @p1 .LBB2_6-.Ltmp2, $4  }
0x28f: {  	[sflag:s31] =	ssyncset.done $0x0  }
0x290: {  	[sflag:s31] =	ssyncadd.s32 $0xFFFFD800  }
0x291: {  	_ =	swait.ge [sflag:s8], $0x2800  }
0x292: {  	s22 =	rddreg [dreg:$0x5];
	[sflag:s8] =	ssyncset.done $0x0  }
0x293: {  	[sflag:s8] =	ssyncadd.s32 $0xFFFFD800;
	p1 =	seq.s32 s20, $0x0  }
0x294: {  	s4 =	sadd.s32 @!p1 s20, s22;
	s6 =	simm.s32 @!p1 $0x0;
	s21 =	simm.s32 @!p1 $0x7  }
0x295: {  	[tilespmem:s6], [sflag:$0x7] =	stream.linear.gather @!p1 [hbm4b:s4+s6], $0xC80, $0x38;
	[tilespmem:$0x1D880] =	vst v63  }
0x296: {  	_ =	swait.ge @!p1 [sflag:s21], $0xC80  }
0x297: {  	s4 =	rddreg [dreg:$0x4];
	[sflag:s21] =	ssyncset.done @!p1 $0x0  }
0x298: {  	[sflag:s21] =	ssyncadd.s32 @!p1 $0xFFFFF380;
	s4 =	sadd.s32 @!p1 s20, s4;
	s20 =	simm.s32 @!p1 $0x1000  }
0x299: {  	[tilespmem:s20], [sflag:$0x7] =	stream.linear.gather @!p1 [hbm4b:s4+s6], $0xC80, $0x38;
	[tilespmem:$0x1D880] =	vst v63  }
0x29a: {  	_ =	swait.ge @!p1 [sflag:s21], $0xC80  }
0x29b: {  	[sflag:s21] =	ssyncset.done @!p1 $0x0  }
0x29c: {  	s4 =	simm.s32 @!p1 $0x50;
	s20 =	simm.s32 @!p1 $0x2000;
	[sflag:s21] =	ssyncadd.s32 @!p1 $0xFFFFF380  }
0x29d: {  	[tilespmem:s20], [sflag:$0x1] =	stream.indirect.gather @!p1 [hbm4b:s1+s4], $0x80, s6, s4, $0xb8;
	[tilespmem:$0x1D880] =	vst v63  }
0x29e: {  	s6 =	simm.s32 @!p1 $0x80;
	s20 =	simm.s32 @!p1 $0x4800  }
0x29f: {  	[tilespmem:s20], [sflag:$0x2] =	stream.indirect.gather @!p1 [hbm4b:s1+s4], $0x80, s6, s4, $0xb8;
	[tilespmem:$0x1D880] =	vst v63  }
0x2a0: {  	_ =	swait.ge [sflag:s0], $0x2800  }
0x2a1: {  	[sflag:s0] =	ssyncset.done $0x0  }
0x2a2: {  	[sflag:s0] =	ssyncadd.s32 $0xFFFFD800  }
0x2a3: {  	[spmem:s3] =	stream.indirect.scatter.add.f32 [tilespmem:s29], [sflag:$0x4], $0x80, s26, s28, $0xb8;
	[tilespmem:$0x1D880] =	vst v63  }
0x2a4: {  	s21 =	rddreg [dreg:$0x6]  }
0x2a5: {  	[tilespmem:s2], [sflag:$0x3] =	stream.indirect.gather [hbm4b:s1+s28], $0x80, s21, s28, $0xb8;
	[tilespmem:$0x1D880] =	vst v63  }
0x2a6: {  	_ =	swait.ge [sflag:s7], $0x2800  }
0x2a7: {  	[sflag:s7] =	ssyncset.done $0x0  }
0x2a8: {  	s22 =	rddreg [dreg:$0x7];
	[sflag:s7] =	ssyncadd.s32 $0xFFFFD800  }
0x2a9: {  	[spmem:s3] =	stream.indirect.scatter.add.f32 [tilespmem:s30], [sflag:$0x5], $0x80, s22, s28, $0xb8;
	[tilespmem:$0x1D880] =	vst v63  }
0x2aa: {  	_ =	swait.ge [sflag:s8], $0x2800  }
0x2ab: {  	[sflag:s8] =	ssyncset.done $0x0  }
0x2ac: {  	s23 =	rddreg [dreg:$0x8];
	[sflag:s8] =	ssyncadd.s32 $0xFFFFD800  }
0x2ad: {  	[tilespmem:s29], [sflag:$0x1] =	stream.indirect.gather [hbm4b:s1+s28], $0x80, s23, s28, $0xb8;
	[tilespmem:$0x1D880] =	vst v63  }
0x2ae: {  	_ =	swait.ge [sflag:s9], $0x2800  }
0x2af: {  	[sflag:s9] =	ssyncset.done $0x0  }
0x2b0: {  	s6 =	rddreg [dreg:$0x9];
	[sflag:s9] =	ssyncadd.s32 $0xFFFFD800  }
0x2b1: {  	[spmem:s3] =	stream.indirect.scatter.add.f32 [tilespmem:s2], [sflag:$0x6], $0x80, s6, s28, $0xb8;
	[tilespmem:$0x1D880] =	vst v63  }
0x2b2: {  	_ =	swait.ge [sflag:s10], $0x2800  }
0x2b3: {  	[sflag:s10] =	ssyncset.done $0x0  }
0x2b4: {  	s20 =	rddreg [dreg:$0xa];
	[sflag:s10] =	ssyncadd.s32 $0xFFFFD800  }
0x2b5: {  	[tilespmem:s30], [sflag:$0x2] =	stream.indirect.gather [hbm4b:s1+s28], $0x80, s20, s28, $0xb8;
	[tilespmem:$0x1D880] =	vst v63  }
0x2b6: {  	_ =	swait.ge [sflag:s0], $0x2800  }
0x2b7: {  	[sflag:s0] =	ssyncset.done $0x0  }
0x2b8: {  	s21 =	rddreg [dreg:$0xb];
	[sflag:s0] =	ssyncadd.s32 $0xFFFFD800  }
0x2b9: {  	[spmem:s3] =	stream.indirect.scatter.add.f32 [tilespmem:s29], [sflag:$0x4], $0x80, s21, s28, $0xb8;
	[tilespmem:$0x1D880] =	vst v63  }
0x2ba: {  	_ =	swait.ge [sflag:s31], $0x2800  }
0x2bb: {  	[sflag:s31] =	ssyncset.done $0x0  }
0x2bc: {  	s22 =	rddreg [dreg:$0xc];
	[sflag:s31] =	ssyncadd.s32 $0xFFFFD800  }
0x2bd: {  	[tilespmem:s2], [sflag:$0x3] =	stream.indirect.gather [hbm4b:s1+s28], $0x80, s22, s28, $0xb8;
	[tilespmem:$0x1D880] =	vst v63  }
0x2be: {  	_ =	swait.ge [sflag:s7], $0x2800  }
0x2bf: {  	[sflag:s7] =	ssyncset.done $0x0  }
0x2c0: {  	s23 =	rddreg [dreg:$0xd];
	[sflag:s7] =	ssyncadd.s32 $0xFFFFD800  }
0x2c1: {  	[spmem:s3] =	stream.indirect.scatter.add.f32 [tilespmem:s30], [sflag:$0x5], $0x80, s23, s28, $0xb8;
	[tilespmem:$0x1D880] =	vst v63  }
0x2c2: {  	_ =	swait.ge [sflag:s8], $0x2800  }
0x2c3: {  	[sflag:s8] =	ssyncset.done $0x0  }
0x2c4: {  	s6 =	rddreg [dreg:$0xe];
	[sflag:s8] =	ssyncadd.s32 $0xFFFFD800  }
0x2c5: {  	[tilespmem:s29], [sflag:$0x1] =	stream.indirect.gather [hbm4b:s1+s28], $0x80, s6, s28, $0xb8;
	[tilespmem:$0x1D880] =	vst v63  }
0x2c6: {  	_ =	swait.ge [sflag:s9], $0x2800  }
0x2c7: {  	[sflag:s9] =	ssyncset.done $0x0  }
0x2c8: {  	s20 =	rddreg [dreg:$0xf];
	[sflag:s9] =	ssyncadd.s32 $0xFFFFD800  }
0x2c9: {  	[spmem:s3] =	stream.indirect.scatter.add.f32 [tilespmem:s2], [sflag:$0x6], $0x80, s20, s28, $0xb8;
	[tilespmem:$0x1D880] =	vst v63  }
0x2ca: {  	_ =	swait.ge [sflag:s10], $0x2800  }
0x2cb: {  	[sflag:s10] =	ssyncset.done $0x0  }
0x2cc: {  	s21 =	rddreg [dreg:$0x10];
	[sflag:s10] =	ssyncadd.s32 $0xFFFFD800  }
0x2cd: {  	[tilespmem:s30], [sflag:$0x2] =	stream.indirect.gather [hbm4b:s1+s28], $0x80, s21, s28, $0xb8;
	[tilespmem:$0x1D880] =	vst v63  }
0x2ce: {  	_ =	swait.ge [sflag:s0], $0x2800  }
0x2cf: {  	[sflag:s0] =	ssyncset.done $0x0  }
0x2d0: {  	s22 =	rddreg [dreg:$0x11];
	[sflag:s0] =	ssyncadd.s32 $0xFFFFD800  }
0x2d1: {  	[spmem:s3] =	stream.indirect.scatter.add.f32 [tilespmem:s29], [sflag:$0x4], $0x80, s22, s28, $0xb8;
	[tilespmem:$0x1D880] =	vst v63  }
0x2d2: {  	_ =	swait.ge [sflag:s31], $0x2800  }
0x2d3: {  	[sflag:s31] =	ssyncset.done $0x0  }
0x2d4: {  	s23 =	rddreg [dreg:$0x12];
	[sflag:s31] =	ssyncadd.s32 $0xFFFFD800  }
0x2d5: {  	[tilespmem:s2], [sflag:$0x3] =	stream.indirect.gather [hbm4b:s1+s28], $0x80, s23, s28, $0xb8;
	[tilespmem:$0x1D880] =	vst v63  }
0x2d6: {  	_ =	swait.ge [sflag:s7], $0x2800  }
0x2d7: {  	[sflag:s7] =	ssyncset.done $0x0  }
0x2d8: {  	s6 =	rddreg [dreg:$0x13];
	[sflag:s7] =	ssyncadd.s32 $0xFFFFD800  }
0x2d9: {  	[spmem:s3] =	stream.indirect.scatter.add.f32 [tilespmem:s30], [sflag:$0x5], $0x80, s6, s28, $0xb8;
	[tilespmem:$0x1D880] =	vst v63  }
0x2da: {  	_ =	swait.ge [sflag:s8], $0x2800  }
0x2db: {  	[sflag:s8] =	ssyncset.done $0x0  }
0x2dc: {  	s20 =	rddreg [dreg:$0x14];
	[sflag:s8] =	ssyncadd.s32 $0xFFFFD800  }
0x2dd: {  	[tilespmem:s29], [sflag:$0x1] =	stream.indirect.gather [hbm4b:s1+s28], $0x80, s20, s28, $0xb8;
	[tilespmem:$0x1D880] =	vst v63  }
0x2de: {  	_ =	swait.ge [sflag:s9], $0x2800  }
0x2df: {  	[sflag:s9] =	ssyncset.done $0x0  }
0x2e0: {  	s21 =	rddreg [dreg:$0x15];
	[sflag:s9] =	ssyncadd.s32 $0xFFFFD800  }
0x2e1: {  	[spmem:s3] =	stream.indirect.scatter.add.f32 [tilespmem:s2], [sflag:$0x6], $0x80, s21, s28, $0xb8;
	[tilespmem:$0x1D880] =	vst v63  }
0x2e2: {  	_ =	swait.ge [sflag:s10], $0x2800  }
0x2e3: {  	[sflag:s10] =	ssyncset.done $0x0  }
0x2e4: {  	s22 =	rddreg [dreg:$0x16];
	[sflag:s10] =	ssyncadd.s32 $0xFFFFD800  }
0x2e5: {  	[tilespmem:s30], [sflag:$0x2] =	stream.indirect.gather [hbm4b:s1+s28], $0x80, s22, s28, $0xb8;
	[tilespmem:$0x1D880] =	vst v63  }
0x2e6: {  	_ =	swait.ge [sflag:s0], $0x2800  }
0x2e7: {  	[sflag:s0] =	ssyncset.done $0x0  }
0x2e8: {  	s23 =	rddreg [dreg:$0x17];
	[sflag:s0] =	ssyncadd.s32 $0xFFFFD800  }
0x2e9: {  	[spmem:s3] =	stream.indirect.scatter.add.f32 [tilespmem:s29], [sflag:$0x4], $0x80, s23, s28, $0xb8;
	[tilespmem:$0x1D880] =	vst v63  }
0x2ea: {  	_ =	swait.ge [sflag:s31], $0x2800  }
0x2eb: {  	[sflag:s31] =	ssyncset.done $0x0  }
0x2ec: {  	s6 =	rddreg [dreg:$0x18];
	[sflag:s31] =	ssyncadd.s32 $0xFFFFD800  }
0x2ed: {  	[tilespmem:s2], [sflag:$0x3] =	stream.indirect.gather [hbm4b:s1+s28], $0x80, s6, s28, $0xb8;
	[tilespmem:$0x1D880] =	vst v63  }
0x2ee: {  	_ =	swait.ge [sflag:s7], $0x2800  }
0x2ef: {  	[sflag:s7] =	ssyncset.done $0x0  }
0x2f0: {  	s20 =	rddreg [dreg:$0x19];
	[sflag:s7] =	ssyncadd.s32 $0xFFFFD800  }
0x2f1: {  	[spmem:s3] =	stream.indirect.scatter.add.f32 [tilespmem:s30], [sflag:$0x5], $0x80, s20, s28, $0xb8;
	[tilespmem:$0x1D880] =	vst v63  }
0x2f2: {  	_ =	swait.ge [sflag:s8], $0x2800  }
0x2f3: {  	[sflag:s8] =	ssyncset.done $0x0  }
0x2f4: {  	s21 =	rddreg [dreg:$0x1a];
	[sflag:s8] =	ssyncadd.s32 $0xFFFFD800  }
0x2f5: {  	[tilespmem:s29], [sflag:$0x1] =	stream.indirect.gather [hbm4b:s1+s28], $0x80, s21, s28, $0xb8;
	[tilespmem:$0x1D880] =	vst v63  }
0x2f6: {  	_ =	swait.ge [sflag:s9], $0x2800  }
0x2f7: {  	[sflag:s9] =	ssyncset.done $0x0  }
0x2f8: {  	s22 =	rddreg [dreg:$0x1b];
	[sflag:s9] =	ssyncadd.s32 $0xFFFFD800  }
0x2f9: {  	[spmem:s3] =	stream.indirect.scatter.add.f32 [tilespmem:s2], [sflag:$0x6], $0x80, s22, s28, $0xb8;
	[tilespmem:$0x1D880] =	vst v63  }
0x2fa: {  	_ =	swait.ge [sflag:s10], $0x2800  }
0x2fb: {  	[sflag:s10] =	ssyncset.done $0x0  }
0x2fc: {  	s23 =	rddreg [dreg:$0x1c];
	[sflag:s10] =	ssyncadd.s32 $0xFFFFD800  }
0x2fd: {  	[tilespmem:s30], [sflag:$0x2] =	stream.indirect.gather [hbm4b:s1+s28], $0x80, s23, s28, $0xb8;
	[tilespmem:$0x1D880] =	vst v63  }
0x2fe: {  	_ =	swait.ge [sflag:s0], $0x2800  }
0x2ff: {  	[sflag:s0] =	ssyncset.done $0x0  }
0x300: {  	s6 =	rddreg [dreg:$0x1d];
	[sflag:s0] =	ssyncadd.s32 $0xFFFFD800  }
0x301: {  	[spmem:s3] =	stream.indirect.scatter.add.f32 [tilespmem:s29], [sflag:$0x4], $0x80, s6, s28, $0xb8;
	[tilespmem:$0x1D880] =	vst v63  }
0x302: {  	_ =	swait.ge [sflag:s31], $0x2800  }
0x303: {  	[sflag:s31] =	ssyncset.done $0x0  }
0x304: {  	s20 =	rddreg [dreg:$0x1e];
	[sflag:s31] =	ssyncadd.s32 $0xFFFFD800  }
0x305: {  	[tilespmem:s2], [sflag:$0x3] =	stream.indirect.gather [hbm4b:s1+s28], $0x80, s20, s28, $0xb8;
	[tilespmem:$0x1D880] =	vst v63  }
0x306: {  	_ =	swait.ge [sflag:s7], $0x2800  }
0x307: {  	[sflag:s7] =	ssyncset.done $0x0  }
0x308: {  	s21 =	rddreg [dreg:$0x1f];
	[sflag:s7] =	ssyncadd.s32 $0xFFFFD800  }
0x309: {  	[spmem:s3] =	stream.indirect.scatter.add.f32 [tilespmem:s30], [sflag:$0x5], $0x80, s21, s28, $0xb8;
	[tilespmem:$0x1D880] =	vst v63  }
0x30a: {  	_ =	swait.ge [sflag:s8], $0x2800  }
0x30b: {  	s22 =	sld [smem:$0x7CB]  }
0x30c: {  	[sflag:s8] =	ssyncset.done $0x0  }
0x30d: {  	[sflag:s8] =	ssyncadd.s32 $0xFFFFD800  }
0x30e: {  	[tilespmem:s29], [sflag:$0x1] =	stream.indirect.gather [hbm4b:s1+s28], $0x80, s22, s28, $0xb8;
	[tilespmem:$0x1D880] =	vst v63  }
0x30f: {  	_ =	swait.ge [sflag:s9], $0x2800  }
0x310: {  	s23 =	sld [smem:$0x7CD]  }
0x311: {  	[sflag:s9] =	ssyncset.done $0x0  }
0x312: {  	[sflag:s9] =	ssyncadd.s32 $0xFFFFD800  }
0x313: {  	[spmem:s3] =	stream.indirect.scatter.add.f32 [tilespmem:s2], [sflag:$0x6], $0x80, s23, s28, $0xb8;
	[tilespmem:$0x1D880] =	vst v63  }
0x314: {  	_ =	swait.ge [sflag:s10], $0x2800  }
0x315: {  	s6 =	sld [smem:$0x7CF]  }
0x316: {  	[sflag:s10] =	ssyncset.done $0x0  }
0x317: {  	[sflag:s10] =	ssyncadd.s32 $0xFFFFD800  }
0x318: {  	[tilespmem:s30], [sflag:$0x2] =	stream.indirect.gather [hbm4b:s1+s28], $0x80, s6, s28, $0xb8;
	[tilespmem:$0x1D880] =	vst v63  }
0x319: {  	_ =	swait.ge [sflag:s0], $0x2800  }
0x31a: {  	s20 =	sld [smem:$0x7D1]  }
0x31b: {  	[sflag:s0] =	ssyncset.done $0x0  }
0x31c: {  	[sflag:s0] =	ssyncadd.s32 $0xFFFFD800  }
0x31d: {  	[spmem:s3] =	stream.indirect.scatter.add.f32 [tilespmem:s29], [sflag:$0x4], $0x80, s20, s28, $0xb8;
	[tilespmem:$0x1D880] =	vst v63  }
0x31e: {  	_ =	swait.ge [sflag:s31], $0x2800  }
0x31f: {  	s21 =	sld [smem:$0x7D3]  }
0x320: {  	[sflag:s31] =	ssyncset.done $0x0  }
0x321: {  	[sflag:s31] =	ssyncadd.s32 $0xFFFFD800  }
0x322: {  	[tilespmem:s2], [sflag:$0x3] =	stream.indirect.gather [hbm4b:s1+s28], $0x80, s21, s28, $0xb8;
	[tilespmem:$0x1D880] =	vst v63  }
0x323: {  	_ =	swait.ge [sflag:s7], $0x2800  }
0x324: {  	s22 =	sld [smem:$0x7D5]  }
0x325: {  	[sflag:s7] =	ssyncset.done $0x0  }
0x326: {  	[sflag:s7] =	ssyncadd.s32 $0xFFFFD800  }
0x327: {  	[spmem:s3] =	stream.indirect.scatter.add.f32 [tilespmem:s30], [sflag:$0x5], $0x80, s22, s28, $0xb8;
	[tilespmem:$0x1D880] =	vst v63  }
0x328: {  	_ =	swait.ge [sflag:s8], $0x2800  }
0x329: {  	s23 =	sld [smem:$0x7D7]  }
0x32a: {  	[sflag:s8] =	ssyncset.done $0x0  }
0x32b: {  	[sflag:s8] =	ssyncadd.s32 $0xFFFFD800  }
0x32c: {  	[tilespmem:s29], [sflag:$0x1] =	stream.indirect.gather [hbm4b:s1+s28], $0x80, s23, s28, $0xb8;
	[tilespmem:$0x1D880] =	vst v63  }
0x32d: {  	_ =	swait.ge [sflag:s9], $0x2800  }
0x32e: {  	s6 =	sld [smem:$0x7D9]  }
0x32f: {  	[sflag:s9] =	ssyncset.done $0x0  }
0x330: {  	[sflag:s9] =	ssyncadd.s32 $0xFFFFD800  }
0x331: {  	[spmem:s3] =	stream.indirect.scatter.add.f32 [tilespmem:s2], [sflag:$0x6], $0x80, s6, s28, $0xb8;
	[tilespmem:$0x1D880] =	vst v63  }
0x332: {  	_ =	swait.ge [sflag:s10], $0x2800  }
0x333: {  	s20 =	sld [smem:$0x7DB]  }
0x334: {  	[sflag:s10] =	ssyncset.done $0x0  }
0x335: {  	[sflag:s10] =	ssyncadd.s32 $0xFFFFD800  }
0x336: {  	[tilespmem:s30], [sflag:$0x2] =	stream.indirect.gather [hbm4b:s1+s28], $0x80, s20, s28, $0xb8;
	[tilespmem:$0x1D880] =	vst v63  }
0x337: {  	_ =	swait.ge [sflag:s0], $0x2800  }
0x338: {  	s21 =	sld [smem:$0x7DD]  }
0x339: {  	[sflag:s0] =	ssyncset.done $0x0  }
0x33a: {  	[sflag:s0] =	ssyncadd.s32 $0xFFFFD800  }
0x33b: {  	[spmem:s3] =	stream.indirect.scatter.add.f32 [tilespmem:s29], [sflag:$0x4], $0x80, s21, s28, $0xb8;
	[tilespmem:$0x1D880] =	vst v63  }
0x33c: {  	_ =	swait.ge [sflag:s31], $0x2800  }
0x33d: {  	s22 =	sld [smem:$0x7DF]  }
0x33e: {  	[sflag:s31] =	ssyncset.done $0x0  }
0x33f: {  	[sflag:s31] =	ssyncadd.s32 $0xFFFFD800  }
0x340: {  	[tilespmem:s2], [sflag:$0x3] =	stream.indirect.gather [hbm4b:s1+s28], $0x80, s22, s28, $0xb8;
	[tilespmem:$0x1D880] =	vst v63  }
0x341: {  	_ =	swait.ge [sflag:s7], $0x2800  }
0x342: {  	s23 =	sld [smem:$0x7E1]  }
0x343: {  	[sflag:s7] =	ssyncset.done $0x0  }
0x344: {  	[sflag:s7] =	ssyncadd.s32 $0xFFFFD800  }
0x345: {  	[spmem:s3] =	stream.indirect.scatter.add.f32 [tilespmem:s30], [sflag:$0x5], $0x80, s23, s28, $0xb8;
	[tilespmem:$0x1D880] =	vst v63  }
0x346: {  	_ =	swait.ge [sflag:s8], $0x2800  }
0x347: {  	s6 =	sld [smem:$0x7E3]  }
0x348: {  	[sflag:s8] =	ssyncset.done $0x0  }
0x349: {  	[sflag:s8] =	ssyncadd.s32 $0xFFFFD800  }
0x34a: {  	[tilespmem:s29], [sflag:$0x1] =	stream.indirect.gather [hbm4b:s1+s28], $0x80, s6, s28, $0xb8;
	[tilespmem:$0x1D880] =	vst v63  }
0x34b: {  	_ =	swait.ge [sflag:s9], $0x2800  }
0x34c: {  	[sflag:s9] =	ssyncset.done $0x0  }
0x34d: {  	[sflag:s9] =	ssyncadd.s32 $0xFFFFD800  }
0x34e: {  	[spmem:s3] =	stream.indirect.scatter.add.f32 [tilespmem:s2], [sflag:$0x6], $0x80, s11, s28, $0xb8;
	[tilespmem:$0x1D880] =	vst v63  }
0x34f: {  	_ =	swait.ge [sflag:s10], $0x2800  }
0x350: {  	[sflag:s10] =	ssyncset.done $0x0  }
0x351: {  	[sflag:s10] =	ssyncadd.s32 $0xFFFFD800  }
0x352: {  	[tilespmem:s30], [sflag:$0x2] =	stream.indirect.gather [hbm4b:s1+s28], $0x80, s12, s28, $0xb8;
	[tilespmem:$0x1D880] =	vst v63  }
0x353: {  	_ =	swait.ge [sflag:s0], $0x2800  }
0x354: {  	[sflag:s0] =	ssyncset.done $0x0  }
0x355: {  	[sflag:s0] =	ssyncadd.s32 $0xFFFFD800  }
0x356: {  	[spmem:s3] =	stream.indirect.scatter.add.f32 [tilespmem:s29], [sflag:$0x4], $0x80, s13, s28, $0xb8;
	[tilespmem:$0x1D880] =	vst v63  }
0x357: {  	_ =	swait.ge [sflag:s31], $0x2800  }
0x358: {  	[sflag:s31] =	ssyncset.done $0x0  }
0x359: {  	[sflag:s31] =	ssyncadd.s32 $0xFFFFD800  }
0x35a: {  	[tilespmem:s2], [sflag:$0x3] =	stream.indirect.gather [hbm4b:s1+s28], $0x80, s14, s28, $0xb8;
	[tilespmem:$0x1D880] =	vst v63  }
0x35b: {  	_ =	swait.ge [sflag:s7], $0x2800  }
0x35c: {  	[sflag:s7] =	ssyncset.done $0x0  }
0x35d: {  	[sflag:s7] =	ssyncadd.s32 $0xFFFFD800  }
0x35e: {  	[spmem:s3] =	stream.indirect.scatter.add.f32 [tilespmem:s30], [sflag:$0x5], $0x80, s15, s28, $0xb8;
	[tilespmem:$0x1D880] =	vst v63  }
0x35f: {  	_ =	swait.ge [sflag:s8], $0x2800  }
0x360: {  	[sflag:s8] =	ssyncset.done $0x0  }
0x361: {  	[sflag:s8] =	ssyncadd.s32 $0xFFFFD800  }
0x362: {  	[tilespmem:s29], [sflag:$0x1] =	stream.indirect.gather [hbm4b:s1+s28], $0x80, s16, s28, $0xb8;
	[tilespmem:$0x1D880] =	vst v63  }
0x363: {  	_ =	swait.ge [sflag:s9], $0x2800  }
0x364: {  	[sflag:s9] =	ssyncset.done $0x0  }
0x365: {  	[sflag:s9] =	ssyncadd.s32 $0xFFFFD800  }
0x366: {  	[spmem:s3] =	stream.indirect.scatter.add.f32 [tilespmem:s2], [sflag:$0x6], $0x80, s17, s28, $0xb8;
	[tilespmem:$0x1D880] =	vst v63  }
0x367: {  	_ =	swait.ge [sflag:s10], $0x2800  }
0x368: {  	[sflag:s10] =	ssyncset.done $0x0  }
0x369: {  	[sflag:s10] =	ssyncadd.s32 $0xFFFFD800  }
0x36a: {  	_ =	swait.ge [sflag:s0], $0x2800  }
0x36b: {  	[sflag:s0] =	ssyncset.done $0x0  }
0x36c: {  	[sflag:s0] =	ssyncadd.s32 $0xFFFFD800  }
0x36d: {  	[spmem:s3] =	stream.indirect.scatter.add.f32 [tilespmem:s29], [sflag:$0x4], $0x80, s18, s28, $0xb8;
	[tilespmem:$0x1D880] =	vst v63  }
0x36e: {  	_ =	swait.ge [sflag:s31], $0x2800  }
0x36f: {  	[sflag:s31] =	ssyncset.done $0x0  }
0x370: {  	[sflag:s31] =	ssyncadd.s32 $0xFFFFD800  }
0x371: {  	_ =	swait.ge [sflag:s8], $0x2800  }
0x372: {  	[sflag:s8] =	ssyncset.done $0x0  }
0x373: {  	[sflag:s8] =	ssyncadd.s32 $0xFFFFD800  }
0x374: {  	[bflag:$0x0] =	sbarrier.arrive $0xFFFF  }
0x375: {  	s20 =	stileid.u32;
	s22 =	sld [smem:$0x7C7]  }
0x376: {  	s4 =	sshll.u32 s20, $0x6  }
0x377: {  	s4 =	sor.u32 $0x1C07, s4;
	s21 =	sshrl.u32 s5, $0x3  }
0x378: {  	[hbm:s22], [sflag:s4] =	dma.local [spmem:s21], $0x2700  }
0x379: {  	_ =	swait.ge [sflag:s25], $0x2700  }
0x37a: {  	s22 =	sld [smem:$0x7FD]  }
0x37b: {  	s20 =	sld [smem:$0x7C8]  }
0x37c: {  	[sflag:s25] =	ssyncset.done $0x0  }
0x37d: {  	[sflag:s25] =	ssyncadd.s32 $0xFFFFD900;
	s6 =	sshrl.u32 @!p0 s22, $0x3  }
0x37e: {  	[hbm:s20], [sflag:s4] =	dma.local @!p0 [spmem:s6], $0x100  }
0x37f: {  	s4 =	simm.s32 @!p0 $0x7  }
0x380: {  	_ =	swait.ge @!p0 [sflag:s4], $0x100  }
0x381: {  	s23 =	sld [smem:$0x7C9];
	_ =	sdelay $0x1  }
0x382: {  	s19 =	sadd.s32 $0x1, s19  }
0x383: {  	p1 =	sne.s32 s19, s23  }
.Ltmp3:
0x384: {  	_ = 	snop;
	(pc) =	sbr.rel @p1 .LBB2_1-.Ltmp3, $3  }
0x385: {  	_ =	sdelay $0x1  }
0x386: {  	[sflag:s4] =	ssyncset.done @!p0 $0x0  }
0x387: {  	[sflag:s4] =	ssyncadd.s32 @!p0 $0xFFFFFF00  }
0x388: {  	_ =	sfence.sel $0x180000  }
0x389: {  	[bflag:$0x0] =	sbarrier.arrive $0xFFFF  }
0x38a: {  	_ =	strace $0x9000004A  }
0x38b: {  	s0 =	stileid.u32;
	[bflag:$0x2] =	sbarrier.arrive $0xFFFF  }
0x38c: {  	p0 =	sne.s32 s0, $0x0;
	s0 =	rddreg [dreg:$0x3]  }
0x38d: {  	s0 =	sadd.s32 @!p0 $0x100000, s0  }
0x38e: {  	[sflag:s0] =	ssyncadd.tile.s32 @!p0 $0x1;
	_ =	shalt  }
.Lfunc_end2:
_tile_overlayer_lowered:
.L_overlay_start_2:
0x38f: {  	(tag) =	ssettag $0x2  }
0x390: {  	s0 =	rddreg [dreg:$0x0];
	s2 =	stileid.u32  }
0x391: {  	s1 =	rddreg [dreg:$0x1];
	p0 =	sne.s32 s2, $0x0  }
0x392: {  	s3 =	rddreg [dreg:$0x2];
	[bflag:$0x3] =	sbarrier.arrive $0xFFFF;
	s2 =	simm.s32 @!p0 $0x1C07  }
0x393: {  	[timem:s3], [sflag:s2] =	dma.local @!p0 [hbm:s0], s1  }
0x394: {  	s0 =	simm.s32 @!p0 $0x7  }
0x395: {  	_ =	swait.ge @!p0 [sflag:s0], s1  }
0x396: {  	s1 =	ssub.s32 @!p0 $0x0, s1;
	[sflag:s0] =	ssyncset.done @!p0 $0x0  }
0x397: {  	[sflag:s0] =	ssyncadd.s32 @!p0 s1  }
0x398: {  	[bflag:$0x3] =	sbarrier.arrive $0xFFFF  }
0x399: {  	_ =	shalt  }

</sc_bundles>
